<compile_context>
chip_gen: v7x
topology: tpu7x:2x2x1
jax: 0.10.2.dev20260603
libtpu: 0.0.44.dev20260713+nightly
codegen_flags: <defaults>
</compile_context>

<pallas_src>
import functools

import jax
import jax.numpy as jnp
from jax import lax
from jax.experimental import pallas as pl
from jax.experimental.pallas import tpu as pltpu
from jax.experimental.pallas import tpu_sc as plsc

DENSE = 1024
BATCH = 1024
SPIKES = 64
NC, NS, L = 2, 16, 16
NW = NC * NS
BPW = BATCH // NW


def _build_counts_body(ids_hbm, ns_hbm, a_hbm, a_v, ids_v, ns_v, sem, sem_in):
    wid = lax.axis_index("s") * NC + lax.axis_index("c")
    base = wid * BPW
    cp_ids = pltpu.async_copy(ids_hbm.at[pl.ds(base, BPW)], ids_v, sem_in)
    cp_ns = pltpu.async_copy(ns_hbm.at[pl.ds(base, BPW)], ns_v, sem_in)

    zeros = jnp.zeros((L,), jnp.float32)
    ones = jnp.ones((L,), jnp.float32)
    lanes = lax.iota(jnp.int32, L)

    def zero_body(b, carry):
        for k in range(DENSE // L):
            a_v[b, pl.ds(k * L, L)] = zeros
        return carry

    lax.fori_loop(0, L, zero_body, 0)
    cp_ids.wait()
    cp_ns.wait()

    copies = []
    for g in range(BPW // L):
        if g > 0:
            lax.fori_loop(g * L, (g + 1) * L, zero_body, 0)

        ns16 = ns_v[pl.ds(g * L, L)]
        bvec = lanes + (g * L)

        def spike_body(j, carry, ns16=ns16, bvec=bvec):
            ids16 = plsc.load_gather(ids_v, [bvec, lax.broadcast(j, (L,))])
            mask = ns16 > j
            plsc.addupdate_scatter(a_v, [bvec, ids16], ones, mask=mask)
            return carry

        lax.fori_loop(0, SPIKES, spike_body, 0)
        copies.append(pltpu.async_copy(
            a_v.at[pl.ds(g * L, L)],
            a_hbm.at[pl.ds(base + g * L, L)], sem))
    for cp in copies:
        cp.wait()


_build_counts = functools.partial(
    pl.kernel,
    out_type=jax.ShapeDtypeStruct((BATCH, DENSE), jnp.float32),
    mesh=plsc.VectorSubcoreMesh(core_axis_name="c", subcore_axis_name="s"),
    compiler_params=pltpu.CompilerParams(
        needs_layout_passes=False, skip_device_barrier=True,
        disable_bounds_checks=True, disable_semaphore_checks=True),
    scratch_types=[
        pltpu.VMEM((BPW, DENSE), jnp.float32),
        pltpu.VMEM((BPW, SPIKES), jnp.int32),
        pltpu.VMEM((BPW,), jnp.int32),
        pltpu.SemaphoreType.DMA,
        pltpu.SemaphoreType.DMA,
    ],
)(_build_counts_body)


def _matmul_body(a_ref, w_ref, o_ref):
    o_ref[...] = lax.dot_general(
        a_ref[...].astype(jnp.bfloat16), w_ref[...],
        dimension_numbers=(((1,), (1,)), ((), ())),
        preferred_element_type=jnp.float32,
    )


def _matmul(a, w):
    nblk = 1
    return pl.pallas_call(
        _matmul_body,
        grid=(nblk,),
        in_specs=[
            pl.BlockSpec((BATCH // nblk, DENSE), lambda i: (i, 0)),
            pl.BlockSpec((DENSE, DENSE), lambda i: (0, 0)),
        ],
        out_specs=pl.BlockSpec((BATCH // nblk, DENSE), lambda i: (i, 0)),
        out_shape=jax.ShapeDtypeStruct((BATCH, DENSE), jnp.float32),
    )(a, w)


def kernel(w, spike_ids, num_spikes):
    a = _build_counts(spike_ids, num_spikes)
    return _matmul(a, w.astype(jnp.bfloat16))

# --- scband reference (transcript-rebuilt; emitter-appended) ---
"""Pipeline reference for scband-sparse-dense-matmul-layer-56684978372609 (READ-ONLY COPY).

The authoritative reference and input builder live on the scoring server;
editing this copy changes nothing except your own understanding.
"""

import jax, jax.numpy as jnp
import numpy as np

DENSE_SIZE = 1024
BATCH = 1024
MAX_SPIKES = 64


def setup_inputs(seed: int = 0) -> dict:
    key = jax.random.key(seed)
    k_w, k_ids, k_ns = jax.random.split(key, 3)
    # weight init: random_normal_initializer(mean=0.0, stddev=2.0)
    w = 2.0 * jax.random.normal(k_w, (DENSE_SIZE, DENSE_SIZE), dtype=jnp.float32)
    spike_ids = jax.random.randint(k_ids, (BATCH, MAX_SPIKES), 0, DENSE_SIZE, dtype=jnp.int32)
    num_spikes = jax.random.randint(k_ns, (BATCH,), 0, MAX_SPIKES + 1, dtype=jnp.int32)
    return {"w": w, "spike_ids": spike_ids, "num_spikes": num_spikes}


def reference(w, spike_ids, num_spikes):
    # dyn_dense_binary_sparse_matmul_op: out[b] = sum over the first num_spikes[b]
    # valid spike ids j of column w[:, spike_ids[b, j]] (binary sparse vector matmul).
    # Implemented as an embedding-style gather over w.T followed by a masked sum.
    table = w.T  # [dense_size, dense_size]; row i is column i of w
    gathered = jnp.take(table, spike_ids, axis=0)  # [B, S, dense_size]
    mask = (jnp.arange(spike_ids.shape[1], dtype=jnp.int32)[None, :]
            < num_spikes[:, None]).astype(gathered.dtype)  # [B, S]
    out = jnp.sum(gathered * mask[:, :, None], axis=1)  # [B, dense_size]
    return out

if __name__ == "__main__":
    import jax
    _d = setup_inputs()
    print(jax.jit(kernel)(*tuple(_d.values())))

</pallas_src>

<mosaic_0001>
#map = affine_map<(d0, d1) -> (0, 0)>
#map1 = affine_map<(d0, d1) -> (0)>
module attributes {stable_mosaic.version = 14 : i64} {
  func.func @_build_counts_body(%arg0: i32, %arg1: i32, %arg2: memref<1024x64xi32, #tpu.memory_space<hbm>>, %arg3: memref<1024xi32, #tpu.memory_space<hbm>>, %arg4: memref<1024x1024xf32, #tpu.memory_space<hbm>>, %arg5: memref<32x1024xf32, #tpu.memory_space<vmem>>, %arg6: memref<32x64xi32, #tpu.memory_space<vmem>>, %arg7: memref<32xi32, #tpu.memory_space<vmem>>, %arg8: memref<!tpu.dma_semaphore, #tpu.memory_space<semaphore_mem>>, %arg9: memref<!tpu.dma_semaphore, #tpu.memory_space<semaphore_mem>>) attributes {dimension_semantics = [#tpu.dimension_semantics<core_parallel>, #tpu.dimension_semantics<subcore_parallel>], iteration_bounds = array<i64: 2, 16>, scalar_prefetch = 0 : i64, scratch_operands = 5 : i64, tpu.core_type = #tpu.core_type<sc_vector_subcore>, window_params = [{transform_indices = #map}, {transform_indices = #map1}, {transform_indices = #map}]} {
    %mul3A = arith.constant 2 : i32
    %mul3A_0 = arith.muli %arg1, %mul3A : i32
    %add3A = arith.addi %mul3A_0, %arg0 : i32
    %mul3A_1 = arith.constant 32 : i32
    %mul3A_2 = arith.muli %add3A, %mul3A_1 : i32
    %dma_start3A = arith.constant 0 : i32
    %dma_start3A_3 = tpu.memref_slice %arg2[%mul3A_2, %dma_start3A] : memref<1024x64xi32, #tpu.memory_space<hbm>> -> memref<32x64xi32, #tpu.memory_space<hbm>>
    %dma_start3A_4 = arith.constant 0 : i32
    %dma_start3A_5 = tpu.memref_slice %arg2[%mul3A_2, %dma_start3A_4] : memref<1024x64xi32, #tpu.memory_space<hbm>> -> memref<32x64xi32, #tpu.memory_space<hbm>>
    tpu.enqueue_dma source(%dma_start3A_5 : memref<32x64xi32, #tpu.memory_space<hbm>>) target(%arg6 : memref<32x64xi32, #tpu.memory_space<vmem>>) target_semaphore(%arg9 : memref<!tpu.dma_semaphore, #tpu.memory_space<semaphore_mem>>)
    %dma_start3A_6 = tpu.memref_slice %arg3[%mul3A_2] : memref<1024xi32, #tpu.memory_space<hbm>> -> memref<32xi32, #tpu.memory_space<hbm>>
    %dma_start3A_7 = tpu.memref_slice %arg3[%mul3A_2] : memref<1024xi32, #tpu.memory_space<hbm>> -> memref<32xi32, #tpu.memory_space<hbm>>
    tpu.enqueue_dma source(%dma_start3A_7 : memref<32xi32, #tpu.memory_space<hbm>>) target(%arg7 : memref<32xi32, #tpu.memory_space<vmem>>) target_semaphore(%arg9 : memref<!tpu.dma_semaphore, #tpu.memory_space<semaphore_mem>>)
    %broadcast_in_dim3A = arith.constant 0.000000e+00 : f32
    %broadcast_in_dim3A_8 = vector.broadcast %broadcast_in_dim3A : f32 to vector<16xf32>
    %broadcast_in_dim3A_9 = arith.constant 1.000000e+00 : f32
    %broadcast_in_dim3A_10 = vector.broadcast %broadcast_in_dim3A_9 : f32 to vector<16xf32>
    %iota3A = tpu.iota {dimensions = array<i32: 0>} : vector<16xi32>
    %scan3A = arith.constant 0 : i32
    %scan3A_11 = arith.constant 0 : i32
    %scan3A_12 = arith.constant 16 : i32
    %scan3A_13 = arith.addi %scan3A_11, %scan3A_12 : i32
    %scan3A_14 = arith.constant 1 : i32
    scf.for %scan3A_92 = %scan3A_11 to %scan3A_13 step %scan3A_14  : i32 {
      %swap3A = arith.index_cast %scan3A_92 : i32 to index
      %swap3A_93 = arith.constant 0 : index
      %swap3A_94 = tpu.vector_load %arg5[%swap3A, %swap3A_93] {strides = array<i32>} : memref<32x1024xf32, #tpu.memory_space<vmem>>, vector<16xf32>,
      tpu.vector_store %arg5[%swap3A, %swap3A_93], %broadcast_in_dim3A_8 {strides = array<i32>} : memref<32x1024xf32, #tpu.memory_space<vmem>>, vector<16xf32>,
      %swap3A_95 = arith.index_cast %scan3A_92 : i32 to index
      %swap3A_96 = arith.constant 16 : index
      %swap3A_97 = tpu.vector_load %arg5[%swap3A_95, %swap3A_96] {strides = array<i32>} : memref<32x1024xf32, #tpu.memory_space<vmem>>, vector<16xf32>,
      tpu.vector_store %arg5[%swap3A_95, %swap3A_96], %broadcast_in_dim3A_8 {strides = array<i32>} : memref<32x1024xf32, #tpu.memory_space<vmem>>, vector<16xf32>,
      %swap3A_98 = arith.index_cast %scan3A_92 : i32 to index
      %swap3A_99 = arith.constant 32 : index
      %swap3A_100 = tpu.vector_load %arg5[%swap3A_98, %swap3A_99] {strides = array<i32>} : memref<32x1024xf32, #tpu.memory_space<vmem>>, vector<16xf32>,
      tpu.vector_store %arg5[%swap3A_98, %swap3A_99], %broadcast_in_dim3A_8 {strides = array<i32>} : memref<32x1024xf32, #tpu.memory_space<vmem>>, vector<16xf32>,
      %swap3A_101 = arith.index_cast %scan3A_92 : i32 to index
      %swap3A_102 = arith.constant 48 : index
      %swap3A_103 = tpu.vector_load %arg5[%swap3A_101, %swap3A_102] {strides = array<i32>} : memref<32x1024xf32, #tpu.memory_space<vmem>>, vector<16xf32>,
      tpu.vector_store %arg5[%swap3A_101, %swap3A_102], %broadcast_in_dim3A_8 {strides = array<i32>} : memref<32x1024xf32, #tpu.memory_space<vmem>>, vector<16xf32>,
      %swap3A_104 = arith.index_cast %scan3A_92 : i32 to index
      %swap3A_105 = arith.constant 64 : index
      %swap3A_106 = tpu.vector_load %arg5[%swap3A_104, %swap3A_105] {strides = array<i32>} : memref<32x1024xf32, #tpu.memory_space<vmem>>, vector<16xf32>,
      tpu.vector_store %arg5[%swap3A_104, %swap3A_105], %broadcast_in_dim3A_8 {strides = array<i32>} : memref<32x1024xf32, #tpu.memory_space<vmem>>, vector<16xf32>,
      %swap3A_107 = arith.index_cast %scan3A_92 : i32 to index
      %swap3A_108 = arith.constant 80 : index
      %swap3A_109 = tpu.vector_load %arg5[%swap3A_107, %swap3A_108] {strides = array<i32>} : memref<32x1024xf32, #tpu.memory_space<vmem>>, vector<16xf32>,
      tpu.vector_store %arg5[%swap3A_107, %swap3A_108], %broadcast_in_dim3A_8 {strides = array<i32>} : memref<32x1024xf32, #tpu.memory_space<vmem>>, vector<16xf32>,
      %swap3A_110 = arith.index_cast %scan3A_92 : i32 to index
      %swap3A_111 = arith.constant 96 : index
      %swap3A_112 = tpu.vector_load %arg5[%swap3A_110, %swap3A_111] {strides = array<i32>} : memref<32x1024xf32, #tpu.memory_space<vmem>>, vector<16xf32>,
      tpu.vector_store %arg5[%swap3A_110, %swap3A_111], %broadcast_in_dim3A_8 {strides = array<i32>} : memref<32x1024xf32, #tpu.memory_space<vmem>>, vector<16xf32>,
      %swap3A_113 = arith.index_cast %scan3A_92 : i32 to index
      %swap3A_114 = arith.constant 112 : index
      %swap3A_115 = tpu.vector_load %arg5[%swap3A_113, %swap3A_114] {strides = array<i32>} : memref<32x1024xf32, #tpu.memory_space<vmem>>, vector<16xf32>,
      tpu.vector_store %arg5[%swap3A_113, %swap3A_114], %broadcast_in_dim3A_8 {strides = array<i32>} : memref<32x1024xf32, #tpu.memory_space<vmem>>, vector<16xf32>,
      %swap3A_116 = arith.index_cast %scan3A_92 : i32 to index
      %swap3A_117 = arith.constant 128 : index
      %swap3A_118 = tpu.vector_load %arg5[%swap3A_116, %swap3A_117] {strides = array<i32>} : memref<32x1024xf32, #tpu.memory_space<vmem>>, vector<16xf32>,
      tpu.vector_store %arg5[%swap3A_116, %swap3A_117], %broadcast_in_dim3A_8 {strides = array<i32>} : memref<32x1024xf32, #tpu.memory_space<vmem>>, vector<16xf32>,
      %swap3A_119 = arith.index_cast %scan3A_92 : i32 to index
      %swap3A_120 = arith.constant 144 : index
      %swap3A_121 = tpu.vector_load %arg5[%swap3A_119, %swap3A_120] {strides = array<i32>} : memref<32x1024xf32, #tpu.memory_space<vmem>>, vector<16xf32>,
      tpu.vector_store %arg5[%swap3A_119, %swap3A_120], %broadcast_in_dim3A_8 {strides = array<i32>} : memref<32x1024xf32, #tpu.memory_space<vmem>>, vector<16xf32>,
      %swap3A_122 = arith.index_cast %scan3A_92 : i32 to index
      %swap3A_123 = arith.constant 160 : index
      %swap3A_124 = tpu.vector_load %arg5[%swap3A_122, %swap3A_123] {strides = array<i32>} : memref<32x1024xf32, #tpu.memory_space<vmem>>, vector<16xf32>,
      tpu.vector_store %arg5[%swap3A_122, %swap3A_123], %broadcast_in_dim3A_8 {strides = array<i32>} : memref<32x1024xf32, #tpu.memory_space<vmem>>, vector<16xf32>,
      %swap3A_125 = arith.index_cast %scan3A_92 : i32 to index
      %swap3A_126 = arith.constant 176 : index
      %swap3A_127 = tpu.vector_load %arg5[%swap3A_125, %swap3A_126] {strides = array<i32>} : memref<32x1024xf32, #tpu.memory_space<vmem>>, vector<16xf32>,
      tpu.vector_store %arg5[%swap3A_125, %swap3A_126], %broadcast_in_dim3A_8 {strides = array<i32>} : memref<32x1024xf32, #tpu.memory_space<vmem>>, vector<16xf32>,
      %swap3A_128 = arith.index_cast %scan3A_92 : i32 to index
      %swap3A_129 = arith.constant 192 : index
      %swap3A_130 = tpu.vector_load %arg5[%swap3A_128, %swap3A_129] {strides = array<i32>} : memref<32x1024xf32, #tpu.memory_space<vmem>>, vector<16xf32>,
      tpu.vector_store %arg5[%swap3A_128, %swap3A_129], %broadcast_in_dim3A_8 {strides = array<i32>} : memref<32x1024xf32, #tpu.memory_space<vmem>>, vector<16xf32>,
      %swap3A_131 = arith.index_cast %scan3A_92 : i32 to index
      %swap3A_132 = arith.constant 208 : index
      %swap3A_133 = tpu.vector_load %arg5[%swap3A_131, %swap3A_132] {strides = array<i32>} : memref<32x1024xf32, #tpu.memory_space<vmem>>, vector<16xf32>,
      tpu.vector_store %arg5[%swap3A_131, %swap3A_132], %broadcast_in_dim3A_8 {strides = array<i32>} : memref<32x1024xf32, #tpu.memory_space<vmem>>, vector<16xf32>,
      %swap3A_134 = arith.index_cast %scan3A_92 : i32 to index
      %swap3A_135 = arith.constant 224 : index
      %swap3A_136 = tpu.vector_load %arg5[%swap3A_134, %swap3A_135] {strides = array<i32>} : memref<32x1024xf32, #tpu.memory_space<vmem>>, vector<16xf32>,
      tpu.vector_store %arg5[%swap3A_134, %swap3A_135], %broadcast_in_dim3A_8 {strides = array<i32>} : memref<32x1024xf32, #tpu.memory_space<vmem>>, vector<16xf32>,
      %swap3A_137 = arith.index_cast %scan3A_92 : i32 to index
      %swap3A_138 = arith.constant 240 : index
      %swap3A_139 = tpu.vector_load %arg5[%swap3A_137, %swap3A_138] {strides = array<i32>} : memref<32x1024xf32, #tpu.memory_space<vmem>>, vector<16xf32>,
      tpu.vector_store %arg5[%swap3A_137, %swap3A_138], %broadcast_in_dim3A_8 {strides = array<i32>} : memref<32x1024xf32, #tpu.memory_space<vmem>>, vector<16xf32>,
      %swap3A_140 = arith.index_cast %scan3A_92 : i32 to index
      %swap3A_141 = arith.constant 256 : index
      %swap3A_142 = tpu.vector_load %arg5[%swap3A_140, %swap3A_141] {strides = array<i32>} : memref<32x1024xf32, #tpu.memory_space<vmem>>, vector<16xf32>,
      tpu.vector_store %arg5[%swap3A_140, %swap3A_141], %broadcast_in_dim3A_8 {strides = array<i32>} : memref<32x1024xf32, #tpu.memory_space<vmem>>, vector<16xf32>,
      %swap3A_143 = arith.index_cast %scan3A_92 : i32 to index
      %swap3A_144 = arith.constant 272 : index
      %swap3A_145 = tpu.vector_load %arg5[%swap3A_143, %swap3A_144] {strides = array<i32>} : memref<32x1024xf32, #tpu.memory_space<vmem>>, vector<16xf32>,
      tpu.vector_store %arg5[%swap3A_143, %swap3A_144], %broadcast_in_dim3A_8 {strides = array<i32>} : memref<32x1024xf32, #tpu.memory_space<vmem>>, vector<16xf32>,
      %swap3A_146 = arith.index_cast %scan3A_92 : i32 to index
      %swap3A_147 = arith.constant 288 : index
      %swap3A_148 = tpu.vector_load %arg5[%swap3A_146, %swap3A_147] {strides = array<i32>} : memref<32x1024xf32, #tpu.memory_space<vmem>>, vector<16xf32>,
      tpu.vector_store %arg5[%swap3A_146, %swap3A_147], %broadcast_in_dim3A_8 {strides = array<i32>} : memref<32x1024xf32, #tpu.memory_space<vmem>>, vector<16xf32>,
      %swap3A_149 = arith.index_cast %scan3A_92 : i32 to index
      %swap3A_150 = arith.constant 304 : index
      %swap3A_151 = tpu.vector_load %arg5[%swap3A_149, %swap3A_150] {strides = array<i32>} : memref<32x1024xf32, #tpu.memory_space<vmem>>, vector<16xf32>,
      tpu.vector_store %arg5[%swap3A_149, %swap3A_150], %broadcast_in_dim3A_8 {strides = array<i32>} : memref<32x1024xf32, #tpu.memory_space<vmem>>, vector<16xf32>,
      %swap3A_152 = arith.index_cast %scan3A_92 : i32 to index
      %swap3A_153 = arith.constant 320 : index
      %swap3A_154 = tpu.vector_load %arg5[%swap3A_152, %swap3A_153] {strides = array<i32>} : memref<32x1024xf32, #tpu.memory_space<vmem>>, vector<16xf32>,
      tpu.vector_store %arg5[%swap3A_152, %swap3A_153], %broadcast_in_dim3A_8 {strides = array<i32>} : memref<32x1024xf32, #tpu.memory_space<vmem>>, vector<16xf32>,
      %swap3A_155 = arith.index_cast %scan3A_92 : i32 to index
      %swap3A_156 = arith.constant 336 : index
      %swap3A_157 = tpu.vector_load %arg5[%swap3A_155, %swap3A_156] {strides = array<i32>} : memref<32x1024xf32, #tpu.memory_space<vmem>>, vector<16xf32>,
      tpu.vector_store %arg5[%swap3A_155, %swap3A_156], %broadcast_in_dim3A_8 {strides = array<i32>} : memref<32x1024xf32, #tpu.memory_space<vmem>>, vector<16xf32>,
      %swap3A_158 = arith.index_cast %scan3A_92 : i32 to index
      %swap3A_159 = arith.constant 352 : index
      %swap3A_160 = tpu.vector_load %arg5[%swap3A_158, %swap3A_159] {strides = array<i32>} : memref<32x1024xf32, #tpu.memory_space<vmem>>, vector<16xf32>,
      tpu.vector_store %arg5[%swap3A_158, %swap3A_159], %broadcast_in_dim3A_8 {strides = array<i32>} : memref<32x1024xf32, #tpu.memory_space<vmem>>, vector<16xf32>,
      %swap3A_161 = arith.index_cast %scan3A_92 : i32 to index
      %swap3A_162 = arith.constant 368 : index
      %swap3A_163 = tpu.vector_load %arg5[%swap3A_161, %swap3A_162] {strides = array<i32>} : memref<32x1024xf32, #tpu.memory_space<vmem>>, vector<16xf32>,
      tpu.vector_store %arg5[%swap3A_161, %swap3A_162], %broadcast_in_dim3A_8 {strides = array<i32>} : memref<32x1024xf32, #tpu.memory_space<vmem>>, vector<16xf32>,
      %swap3A_164 = arith.index_cast %scan3A_92 : i32 to index
      %swap3A_165 = arith.constant 384 : index
      %swap3A_166 = tpu.vector_load %arg5[%swap3A_164, %swap3A_165] {strides = array<i32>} : memref<32x1024xf32, #tpu.memory_space<vmem>>, vector<16xf32>,
      tpu.vector_store %arg5[%swap3A_164, %swap3A_165], %broadcast_in_dim3A_8 {strides = array<i32>} : memref<32x1024xf32, #tpu.memory_space<vmem>>, vector<16xf32>,
      %swap3A_167 = arith.index_cast %scan3A_92 : i32 to index
      %swap3A_168 = arith.constant 400 : index
      %swap3A_169 = tpu.vector_load %arg5[%swap3A_167, %swap3A_168] {strides = array<i32>} : memref<32x1024xf32, #tpu.memory_space<vmem>>, vector<16xf32>,
      tpu.vector_store %arg5[%swap3A_167, %swap3A_168], %broadcast_in_dim3A_8 {strides = array<i32>} : memref<32x1024xf32, #tpu.memory_space<vmem>>, vector<16xf32>,
      %swap3A_170 = arith.index_cast %scan3A_92 : i32 to index
      %swap3A_171 = arith.constant 416 : index
      %swap3A_172 = tpu.vector_load %arg5[%swap3A_170, %swap3A_171] {strides = array<i32>} : memref<32x1024xf32, #tpu.memory_space<vmem>>, vector<16xf32>,
      tpu.vector_store %arg5[%swap3A_170, %swap3A_171], %broadcast_in_dim3A_8 {strides = array<i32>} : memref<32x1024xf32, #tpu.memory_space<vmem>>, vector<16xf32>,
      %swap3A_173 = arith.index_cast %scan3A_92 : i32 to index
      %swap3A_174 = arith.constant 432 : index
      %swap3A_175 = tpu.vector_load %arg5[%swap3A_173, %swap3A_174] {strides = array<i32>} : memref<32x1024xf32, #tpu.memory_space<vmem>>, vector<16xf32>,
      tpu.vector_store %arg5[%swap3A_173, %swap3A_174], %broadcast_in_dim3A_8 {strides = array<i32>} : memref<32x1024xf32, #tpu.memory_space<vmem>>, vector<16xf32>,
      %swap3A_176 = arith.index_cast %scan3A_92 : i32 to index
      %swap3A_177 = arith.constant 448 : index
      %swap3A_178 = tpu.vector_load %arg5[%swap3A_176, %swap3A_177] {strides = array<i32>} : memref<32x1024xf32, #tpu.memory_space<vmem>>, vector<16xf32>,
      tpu.vector_store %arg5[%swap3A_176, %swap3A_177], %broadcast_in_dim3A_8 {strides = array<i32>} : memref<32x1024xf32, #tpu.memory_space<vmem>>, vector<16xf32>,
      %swap3A_179 = arith.index_cast %scan3A_92 : i32 to index
      %swap3A_180 = arith.constant 464 : index
      %swap3A_181 = tpu.vector_load %arg5[%swap3A_179, %swap3A_180] {strides = array<i32>} : memref<32x1024xf32, #tpu.memory_space<vmem>>, vector<16xf32>,
      tpu.vector_store %arg5[%swap3A_179, %swap3A_180], %broadcast_in_dim3A_8 {strides = array<i32>} : memref<32x1024xf32, #tpu.memory_space<vmem>>, vector<16xf32>,
      %swap3A_182 = arith.index_cast %scan3A_92 : i32 to index
      %swap3A_183 = arith.constant 480 : index
      %swap3A_184 = tpu.vector_load %arg5[%swap3A_182, %swap3A_183] {strides = array<i32>} : memref<32x1024xf32, #tpu.memory_space<vmem>>, vector<16xf32>,
      tpu.vector_store %arg5[%swap3A_182, %swap3A_183], %broadcast_in_dim3A_8 {strides = array<i32>} : memref<32x1024xf32, #tpu.memory_space<vmem>>, vector<16xf32>,
      %swap3A_185 = arith.index_cast %scan3A_92 : i32 to index
      %swap3A_186 = arith.constant 496 : index
      %swap3A_187 = tpu.vector_load %arg5[%swap3A_185, %swap3A_186] {strides = array<i32>} : memref<32x1024xf32, #tpu.memory_space<vmem>>, vector<16xf32>,
      tpu.vector_store %arg5[%swap3A_185, %swap3A_186], %broadcast_in_dim3A_8 {strides = array<i32>} : memref<32x1024xf32, #tpu.memory_space<vmem>>, vector<16xf32>,
      %swap3A_188 = arith.index_cast %scan3A_92 : i32 to index
      %swap3A_189 = arith.constant 512 : index
      %swap3A_190 = tpu.vector_load %arg5[%swap3A_188, %swap3A_189] {strides = array<i32>} : memref<32x1024xf32, #tpu.memory_space<vmem>>, vector<16xf32>,
      tpu.vector_store %arg5[%swap3A_188, %swap3A_189], %broadcast_in_dim3A_8 {strides = array<i32>} : memref<32x1024xf32, #tpu.memory_space<vmem>>, vector<16xf32>,
      %swap3A_191 = arith.index_cast %scan3A_92 : i32 to index
      %swap3A_192 = arith.constant 528 : index
      %swap3A_193 = tpu.vector_load %arg5[%swap3A_191, %swap3A_192] {strides = array<i32>} : memref<32x1024xf32, #tpu.memory_space<vmem>>, vector<16xf32>,
      tpu.vector_store %arg5[%swap3A_191, %swap3A_192], %broadcast_in_dim3A_8 {strides = array<i32>} : memref<32x1024xf32, #tpu.memory_space<vmem>>, vector<16xf32>,
      %swap3A_194 = arith.index_cast %scan3A_92 : i32 to index
      %swap3A_195 = arith.constant 544 : index
      %swap3A_196 = tpu.vector_load %arg5[%swap3A_194, %swap3A_195] {strides = array<i32>} : memref<32x1024xf32, #tpu.memory_space<vmem>>, vector<16xf32>,
      tpu.vector_store %arg5[%swap3A_194, %swap3A_195], %broadcast_in_dim3A_8 {strides = array<i32>} : memref<32x1024xf32, #tpu.memory_space<vmem>>, vector<16xf32>,
      %swap3A_197 = arith.index_cast %scan3A_92 : i32 to index
      %swap3A_198 = arith.constant 560 : index
      %swap3A_199 = tpu.vector_load %arg5[%swap3A_197, %swap3A_198] {strides = array<i32>} : memref<32x1024xf32, #tpu.memory_space<vmem>>, vector<16xf32>,
      tpu.vector_store %arg5[%swap3A_197, %swap3A_198], %broadcast_in_dim3A_8 {strides = array<i32>} : memref<32x1024xf32, #tpu.memory_space<vmem>>, vector<16xf32>,
      %swap3A_200 = arith.index_cast %scan3A_92 : i32 to index
      %swap3A_201 = arith.constant 576 : index
      %swap3A_202 = tpu.vector_load %arg5[%swap3A_200, %swap3A_201] {strides = array<i32>} : memref<32x1024xf32, #tpu.memory_space<vmem>>, vector<16xf32>,
      tpu.vector_store %arg5[%swap3A_200, %swap3A_201], %broadcast_in_dim3A_8 {strides = array<i32>} : memref<32x1024xf32, #tpu.memory_space<vmem>>, vector<16xf32>,
      %swap3A_203 = arith.index_cast %scan3A_92 : i32 to index
      %swap3A_204 = arith.constant 592 : index
      %swap3A_205 = tpu.vector_load %arg5[%swap3A_203, %swap3A_204] {strides = array<i32>} : memref<32x1024xf32, #tpu.memory_space<vmem>>, vector<16xf32>,
      tpu.vector_store %arg5[%swap3A_203, %swap3A_204], %broadcast_in_dim3A_8 {strides = array<i32>} : memref<32x1024xf32, #tpu.memory_space<vmem>>, vector<16xf32>,
      %swap3A_206 = arith.index_cast %scan3A_92 : i32 to index
      %swap3A_207 = arith.constant 608 : index
      %swap3A_208 = tpu.vector_load %arg5[%swap3A_206, %swap3A_207] {strides = array<i32>} : memref<32x1024xf32, #tpu.memory_space<vmem>>, vector<16xf32>,
      tpu.vector_store %arg5[%swap3A_206, %swap3A_207], %broadcast_in_dim3A_8 {strides = array<i32>} : memref<32x1024xf32, #tpu.memory_space<vmem>>, vector<16xf32>,
      %swap3A_209 = arith.index_cast %scan3A_92 : i32 to index
      %swap3A_210 = arith.constant 624 : index
      %swap3A_211 = tpu.vector_load %arg5[%swap3A_209, %swap3A_210] {strides = array<i32>} : memref<32x1024xf32, #tpu.memory_space<vmem>>, vector<16xf32>,
      tpu.vector_store %arg5[%swap3A_209, %swap3A_210], %broadcast_in_dim3A_8 {strides = array<i32>} : memref<32x1024xf32, #tpu.memory_space<vmem>>, vector<16xf32>,
      %swap3A_212 = arith.index_cast %scan3A_92 : i32 to index
      %swap3A_213 = arith.constant 640 : index
      %swap3A_214 = tpu.vector_load %arg5[%swap3A_212, %swap3A_213] {strides = array<i32>} : memref<32x1024xf32, #tpu.memory_space<vmem>>, vector<16xf32>,
      tpu.vector_store %arg5[%swap3A_212, %swap3A_213], %broadcast_in_dim3A_8 {strides = array<i32>} : memref<32x1024xf32, #tpu.memory_space<vmem>>, vector<16xf32>,
      %swap3A_215 = arith.index_cast %scan3A_92 : i32 to index
      %swap3A_216 = arith.constant 656 : index
      %swap3A_217 = tpu.vector_load %arg5[%swap3A_215, %swap3A_216] {strides = array<i32>} : memref<32x1024xf32, #tpu.memory_space<vmem>>, vector<16xf32>,
      tpu.vector_store %arg5[%swap3A_215, %swap3A_216], %broadcast_in_dim3A_8 {strides = array<i32>} : memref<32x1024xf32, #tpu.memory_space<vmem>>, vector<16xf32>,
      %swap3A_218 = arith.index_cast %scan3A_92 : i32 to index
      %swap3A_219 = arith.constant 672 : index
      %swap3A_220 = tpu.vector_load %arg5[%swap3A_218, %swap3A_219] {strides = array<i32>} : memref<32x1024xf32, #tpu.memory_space<vmem>>, vector<16xf32>,
      tpu.vector_store %arg5[%swap3A_218, %swap3A_219], %broadcast_in_dim3A_8 {strides = array<i32>} : memref<32x1024xf32, #tpu.memory_space<vmem>>, vector<16xf32>,
      %swap3A_221 = arith.index_cast %scan3A_92 : i32 to index
      %swap3A_222 = arith.constant 688 : index
      %swap3A_223 = tpu.vector_load %arg5[%swap3A_221, %swap3A_222] {strides = array<i32>} : memref<32x1024xf32, #tpu.memory_space<vmem>>, vector<16xf32>,
      tpu.vector_store %arg5[%swap3A_221, %swap3A_222], %broadcast_in_dim3A_8 {strides = array<i32>} : memref<32x1024xf32, #tpu.memory_space<vmem>>, vector<16xf32>,
      %swap3A_224 = arith.index_cast %scan3A_92 : i32 to index
      %swap3A_225 = arith.constant 704 : index
      %swap3A_226 = tpu.vector_load %arg5[%swap3A_224, %swap3A_225] {strides = array<i32>} : memref<32x1024xf32, #tpu.memory_space<vmem>>, vector<16xf32>,
      tpu.vector_store %arg5[%swap3A_224, %swap3A_225], %broadcast_in_dim3A_8 {strides = array<i32>} : memref<32x1024xf32, #tpu.memory_space<vmem>>, vector<16xf32>,
      %swap3A_227 = arith.index_cast %scan3A_92 : i32 to index
      %swap3A_228 = arith.constant 720 : index
      %swap3A_229 = tpu.vector_load %arg5[%swap3A_227, %swap3A_228] {strides = array<i32>} : memref<32x1024xf32, #tpu.memory_space<vmem>>, vector<16xf32>,
      tpu.vector_store %arg5[%swap3A_227, %swap3A_228], %broadcast_in_dim3A_8 {strides = array<i32>} : memref<32x1024xf32, #tpu.memory_space<vmem>>, vector<16xf32>,
      %swap3A_230 = arith.index_cast %scan3A_92 : i32 to index
      %swap3A_231 = arith.constant 736 : index
      %swap3A_232 = tpu.vector_load %arg5[%swap3A_230, %swap3A_231] {strides = array<i32>} : memref<32x1024xf32, #tpu.memory_space<vmem>>, vector<16xf32>,
      tpu.vector_store %arg5[%swap3A_230, %swap3A_231], %broadcast_in_dim3A_8 {strides = array<i32>} : memref<32x1024xf32, #tpu.memory_space<vmem>>, vector<16xf32>,
      %swap3A_233 = arith.index_cast %scan3A_92 : i32 to index
      %swap3A_234 = arith.constant 752 : index
      %swap3A_235 = tpu.vector_load %arg5[%swap3A_233, %swap3A_234] {strides = array<i32>} : memref<32x1024xf32, #tpu.memory_space<vmem>>, vector<16xf32>,
      tpu.vector_store %arg5[%swap3A_233, %swap3A_234], %broadcast_in_dim3A_8 {strides = array<i32>} : memref<32x1024xf32, #tpu.memory_space<vmem>>, vector<16xf32>,
      %swap3A_236 = arith.index_cast %scan3A_92 : i32 to index
      %swap3A_237 = arith.constant 768 : index
      %swap3A_238 = tpu.vector_load %arg5[%swap3A_236, %swap3A_237] {strides = array<i32>} : memref<32x1024xf32, #tpu.memory_space<vmem>>, vector<16xf32>,
      tpu.vector_store %arg5[%swap3A_236, %swap3A_237], %broadcast_in_dim3A_8 {strides = array<i32>} : memref<32x1024xf32, #tpu.memory_space<vmem>>, vector<16xf32>,
      %swap3A_239 = arith.index_cast %scan3A_92 : i32 to index
      %swap3A_240 = arith.constant 784 : index
      %swap3A_241 = tpu.vector_load %arg5[%swap3A_239, %swap3A_240] {strides = array<i32>} : memref<32x1024xf32, #tpu.memory_space<vmem>>, vector<16xf32>,
      tpu.vector_store %arg5[%swap3A_239, %swap3A_240], %broadcast_in_dim3A_8 {strides = array<i32>} : memref<32x1024xf32, #tpu.memory_space<vmem>>, vector<16xf32>,
      %swap3A_242 = arith.index_cast %scan3A_92 : i32 to index
      %swap3A_243 = arith.constant 800 : index
      %swap3A_244 = tpu.vector_load %arg5[%swap3A_242, %swap3A_243] {strides = array<i32>} : memref<32x1024xf32, #tpu.memory_space<vmem>>, vector<16xf32>,
      tpu.vector_store %arg5[%swap3A_242, %swap3A_243], %broadcast_in_dim3A_8 {strides = array<i32>} : memref<32x1024xf32, #tpu.memory_space<vmem>>, vector<16xf32>,
      %swap3A_245 = arith.index_cast %scan3A_92 : i32 to index
      %swap3A_246 = arith.constant 816 : index
      %swap3A_247 = tpu.vector_load %arg5[%swap3A_245, %swap3A_246] {strides = array<i32>} : memref<32x1024xf32, #tpu.memory_space<vmem>>, vector<16xf32>,
      tpu.vector_store %arg5[%swap3A_245, %swap3A_246], %broadcast_in_dim3A_8 {strides = array<i32>} : memref<32x1024xf32, #tpu.memory_space<vmem>>, vector<16xf32>,
      %swap3A_248 = arith.index_cast %scan3A_92 : i32 to index
      %swap3A_249 = arith.constant 832 : index
      %swap3A_250 = tpu.vector_load %arg5[%swap3A_248, %swap3A_249] {strides = array<i32>} : memref<32x1024xf32, #tpu.memory_space<vmem>>, vector<16xf32>,
      tpu.vector_store %arg5[%swap3A_248, %swap3A_249], %broadcast_in_dim3A_8 {strides = array<i32>} : memref<32x1024xf32, #tpu.memory_space<vmem>>, vector<16xf32>,
      %swap3A_251 = arith.index_cast %scan3A_92 : i32 to index
      %swap3A_252 = arith.constant 848 : index
      %swap3A_253 = tpu.vector_load %arg5[%swap3A_251, %swap3A_252] {strides = array<i32>} : memref<32x1024xf32, #tpu.memory_space<vmem>>, vector<16xf32>,
      tpu.vector_store %arg5[%swap3A_251, %swap3A_252], %broadcast_in_dim3A_8 {strides = array<i32>} : memref<32x1024xf32, #tpu.memory_space<vmem>>, vector<16xf32>,
      %swap3A_254 = arith.index_cast %scan3A_92 : i32 to index
      %swap3A_255 = arith.constant 864 : index
      %swap3A_256 = tpu.vector_load %arg5[%swap3A_254, %swap3A_255] {strides = array<i32>} : memref<32x1024xf32, #tpu.memory_space<vmem>>, vector<16xf32>,
      tpu.vector_store %arg5[%swap3A_254, %swap3A_255], %broadcast_in_dim3A_8 {strides = array<i32>} : memref<32x1024xf32, #tpu.memory_space<vmem>>, vector<16xf32>,
      %swap3A_257 = arith.index_cast %scan3A_92 : i32 to index
      %swap3A_258 = arith.constant 880 : index
      %swap3A_259 = tpu.vector_load %arg5[%swap3A_257, %swap3A_258] {strides = array<i32>} : memref<32x1024xf32, #tpu.memory_space<vmem>>, vector<16xf32>,
      tpu.vector_store %arg5[%swap3A_257, %swap3A_258], %broadcast_in_dim3A_8 {strides = array<i32>} : memref<32x1024xf32, #tpu.memory_space<vmem>>, vector<16xf32>,
      %swap3A_260 = arith.index_cast %scan3A_92 : i32 to index
      %swap3A_261 = arith.constant 896 : index
      %swap3A_262 = tpu.vector_load %arg5[%swap3A_260, %swap3A_261] {strides = array<i32>} : memref<32x1024xf32, #tpu.memory_space<vmem>>, vector<16xf32>,
      tpu.vector_store %arg5[%swap3A_260, %swap3A_261], %broadcast_in_dim3A_8 {strides = array<i32>} : memref<32x1024xf32, #tpu.memory_space<vmem>>, vector<16xf32>,
      %swap3A_263 = arith.index_cast %scan3A_92 : i32 to index
      %swap3A_264 = arith.constant 912 : index
      %swap3A_265 = tpu.vector_load %arg5[%swap3A_263, %swap3A_264] {strides = array<i32>} : memref<32x1024xf32, #tpu.memory_space<vmem>>, vector<16xf32>,
      tpu.vector_store %arg5[%swap3A_263, %swap3A_264], %broadcast_in_dim3A_8 {strides = array<i32>} : memref<32x1024xf32, #tpu.memory_space<vmem>>, vector<16xf32>,
      %swap3A_266 = arith.index_cast %scan3A_92 : i32 to index
      %swap3A_267 = arith.constant 928 : index
      %swap3A_268 = tpu.vector_load %arg5[%swap3A_266, %swap3A_267] {strides = array<i32>} : memref<32x1024xf32, #tpu.memory_space<vmem>>, vector<16xf32>,
      tpu.vector_store %arg5[%swap3A_266, %swap3A_267], %broadcast_in_dim3A_8 {strides = array<i32>} : memref<32x1024xf32, #tpu.memory_space<vmem>>, vector<16xf32>,
      %swap3A_269 = arith.index_cast %scan3A_92 : i32 to index
      %swap3A_270 = arith.constant 944 : index
      %swap3A_271 = tpu.vector_load %arg5[%swap3A_269, %swap3A_270] {strides = array<i32>} : memref<32x1024xf32, #tpu.memory_space<vmem>>, vector<16xf32>,
      tpu.vector_store %arg5[%swap3A_269, %swap3A_270], %broadcast_in_dim3A_8 {strides = array<i32>} : memref<32x1024xf32, #tpu.memory_space<vmem>>, vector<16xf32>,
      %swap3A_272 = arith.index_cast %scan3A_92 : i32 to index
      %swap3A_273 = arith.constant 960 : index
      %swap3A_274 = tpu.vector_load %arg5[%swap3A_272, %swap3A_273] {strides = array<i32>} : memref<32x1024xf32, #tpu.memory_space<vmem>>, vector<16xf32>,
      tpu.vector_store %arg5[%swap3A_272, %swap3A_273], %broadcast_in_dim3A_8 {strides = array<i32>} : memref<32x1024xf32, #tpu.memory_space<vmem>>, vector<16xf32>,
      %swap3A_275 = arith.index_cast %scan3A_92 : i32 to index
      %swap3A_276 = arith.constant 976 : index
      %swap3A_277 = tpu.vector_load %arg5[%swap3A_275, %swap3A_276] {strides = array<i32>} : memref<32x1024xf32, #tpu.memory_space<vmem>>, vector<16xf32>,
      tpu.vector_store %arg5[%swap3A_275, %swap3A_276], %broadcast_in_dim3A_8 {strides = array<i32>} : memref<32x1024xf32, #tpu.memory_space<vmem>>, vector<16xf32>,
      %swap3A_278 = arith.index_cast %scan3A_92 : i32 to index
      %swap3A_279 = arith.constant 992 : index
      %swap3A_280 = tpu.vector_load %arg5[%swap3A_278, %swap3A_279] {strides = array<i32>} : memref<32x1024xf32, #tpu.memory_space<vmem>>, vector<16xf32>,
      tpu.vector_store %arg5[%swap3A_278, %swap3A_279], %broadcast_in_dim3A_8 {strides = array<i32>} : memref<32x1024xf32, #tpu.memory_space<vmem>>, vector<16xf32>,
      %swap3A_281 = arith.index_cast %scan3A_92 : i32 to index
      %swap3A_282 = arith.constant 1008 : index
      %swap3A_283 = tpu.vector_load %arg5[%swap3A_281, %swap3A_282] {strides = array<i32>} : memref<32x1024xf32, #tpu.memory_space<vmem>>, vector<16xf32>,
      tpu.vector_store %arg5[%swap3A_281, %swap3A_282], %broadcast_in_dim3A_8 {strides = array<i32>} : memref<32x1024xf32, #tpu.memory_space<vmem>>, vector<16xf32>,
    }
    %scan3A_15 = arith.constant 16 : i32
    %dma_wait3A = arith.constant 0 : i32
    %dma_wait3A_16 = tpu.memref_slice %arg2[%mul3A_2, %dma_wait3A] : memref<1024x64xi32, #tpu.memory_space<hbm>> -> memref<32x64xi32, #tpu.memory_space<hbm>>
    %dma_wait3A_17 = arith.constant 0 : i32
    %dma_wait3A_18 = tpu.memref_slice %arg2[%mul3A_2, %dma_wait3A_17] : memref<1024x64xi32, #tpu.memory_space<hbm>> -> memref<32x64xi32, #tpu.memory_space<hbm>>
    tpu.wait_dma2 semaphore(%arg9 : memref<!tpu.dma_semaphore, #tpu.memory_space<semaphore_mem>>) src(%dma_wait3A_18 : memref<32x64xi32, #tpu.memory_space<hbm>>) dst(%arg6 : memref<32x64xi32, #tpu.memory_space<vmem>>)
    %dma_wait3A_19 = tpu.memref_slice %arg3[%mul3A_2] : memref<1024xi32, #tpu.memory_space<hbm>> -> memref<32xi32, #tpu.memory_space<hbm>>
    %dma_wait3A_20 = tpu.memref_slice %arg3[%mul3A_2] : memref<1024xi32, #tpu.memory_space<hbm>> -> memref<32xi32, #tpu.memory_space<hbm>>
    tpu.wait_dma2 semaphore(%arg9 : memref<!tpu.dma_semaphore, #tpu.memory_space<semaphore_mem>>) src(%dma_wait3A_20 : memref<32xi32, #tpu.memory_space<hbm>>) dst(%arg7 : memref<32xi32, #tpu.memory_space<vmem>>)
    %get3A = arith.constant 0 : index
    %get3A_21 = tpu.vector_load %arg7[%get3A] {strides = array<i32>} : memref<32xi32, #tpu.memory_space<vmem>>, vector<16xi32>,
    %add3A_22 = arith.constant 0 : i32
    %add3A_23 = vector.broadcast %add3A_22 : i32 to vector<16xi32>
    %add3A_24 = arith.addi %iota3A, %add3A_23 : vector<16xi32>
    %scan3A_25 = arith.constant 0 : i32
    %scan3A_26 = arith.constant 0 : i32
    %scan3A_27 = arith.constant 64 : i32
    %scan3A_28 = arith.addi %scan3A_26, %scan3A_27 : i32
    %scan3A_29 = arith.constant 1 : i32
    scf.for %scan3A_92 = %scan3A_26 to %scan3A_28 step %scan3A_29  : i32 {
      %broadcast_in_dim3A_93 = vector.broadcast %scan3A_92 : i32 to vector<16xi32>
      %gather3A = tpu.vector_load_idx %arg6[%add3A_24, %broadcast_in_dim3A_93] : memref<32x64xi32, #tpu.memory_space<vmem>>[vector<16xi32>, vector<16xi32>], vector<16xi32>,
      %gt3A = vector.broadcast %scan3A_92 : i32 to vector<16xi32>
      %gt3A_94 = arith.cmpi sgt, %get3A_21, %gt3A : vector<16xi32>
      tpu.vector_store_idx %arg5[%add3A_24, %gather3A], %broadcast_in_dim3A_10 masked %gt3A_94 {add = true} : memref<32x1024xf32, #tpu.memory_space<vmem>>[vector<16xi32>, vector<16xi32>], vector<16xf32>, vector<16xi1>
    }
    %scan3A_30 = arith.constant 64 : i32
    %add3A_31 = arith.constant 0 : i32
    %add3A_32 = arith.addi %mul3A_2, %add3A_31 : i32
    %dma_start3A_33 = arith.constant 0 : i32
    %dma_start3A_34 = arith.constant 0 : i32
    %dma_start3A_35 = tpu.memref_slice %arg5[%dma_start3A_33, %dma_start3A_34] : memref<32x1024xf32, #tpu.memory_space<vmem>> -> memref<16x1024xf32, #tpu.memory_space<vmem>>
    %dma_start3A_36 = arith.constant 0 : i32
    %dma_start3A_37 = tpu.memref_slice %arg4[%add3A_32, %dma_start3A_36] : memref<1024x1024xf32, #tpu.memory_space<hbm>> -> memref<16x1024xf32, #tpu.memory_space<hbm>>
    %dma_start3A_38 = arith.constant 0 : i32
    %dma_start3A_39 = tpu.memref_slice %arg4[%add3A_32, %dma_start3A_38] : memref<1024x1024xf32, #tpu.memory_space<hbm>> -> memref<16x1024xf32, #tpu.memory_space<hbm>>
    %dma_start3A_40 = arith.constant 0 : i32
    %dma_start3A_41 = arith.constant 0 : i32
    %dma_start3A_42 = tpu.memref_slice %arg5[%dma_start3A_40, %dma_start3A_41] : memref<32x1024xf32, #tpu.memory_space<vmem>> -> memref<16x1024xf32, #tpu.memory_space<vmem>>
    tpu.enqueue_dma source(%dma_start3A_42 : memref<16x1024xf32, #tpu.memory_space<vmem>>) target(%dma_start3A_39 : memref<16x1024xf32, #tpu.memory_space<hbm>>) target_semaphore(%arg8 : memref<!tpu.dma_semaphore, #tpu.memory_space<semaphore_mem>>)
    %scan3A_43 = arith.constant 0 : i32
    %scan3A_44 = arith.constant 16 : i32
    %scan3A_45 = arith.constant 16 : i32
    %scan3A_46 = arith.addi %scan3A_44, %scan3A_45 : i32
    %scan3A_47 = arith.constant 1 : i32
    scf.for %scan3A_92 = %scan3A_44 to %scan3A_46 step %scan3A_47  : i32 {
      %swap3A = arith.index_cast %scan3A_92 : i32 to index
      %swap3A_93 = arith.constant 0 : index
      %swap3A_94 = tpu.vector_load %arg5[%swap3A, %swap3A_93] {strides = array<i32>} : memref<32x1024xf32, #tpu.memory_space<vmem>>, vector<16xf32>,
      tpu.vector_store %arg5[%swap3A, %swap3A_93], %broadcast_in_dim3A_8 {strides = array<i32>} : memref<32x1024xf32, #tpu.memory_space<vmem>>, vector<16xf32>,
      %swap3A_95 = arith.index_cast %scan3A_92 : i32 to index
      %swap3A_96 = arith.constant 16 : index
      %swap3A_97 = tpu.vector_load %arg5[%swap3A_95, %swap3A_96] {strides = array<i32>} : memref<32x1024xf32, #tpu.memory_space<vmem>>, vector<16xf32>,
      tpu.vector_store %arg5[%swap3A_95, %swap3A_96], %broadcast_in_dim3A_8 {strides = array<i32>} : memref<32x1024xf32, #tpu.memory_space<vmem>>, vector<16xf32>,
      %swap3A_98 = arith.index_cast %scan3A_92 : i32 to index
      %swap3A_99 = arith.constant 32 : index
      %swap3A_100 = tpu.vector_load %arg5[%swap3A_98, %swap3A_99] {strides = array<i32>} : memref<32x1024xf32, #tpu.memory_space<vmem>>, vector<16xf32>,
      tpu.vector_store %arg5[%swap3A_98, %swap3A_99], %broadcast_in_dim3A_8 {strides = array<i32>} : memref<32x1024xf32, #tpu.memory_space<vmem>>, vector<16xf32>,
      %swap3A_101 = arith.index_cast %scan3A_92 : i32 to index
      %swap3A_102 = arith.constant 48 : index
      %swap3A_103 = tpu.vector_load %arg5[%swap3A_101, %swap3A_102] {strides = array<i32>} : memref<32x1024xf32, #tpu.memory_space<vmem>>, vector<16xf32>,
      tpu.vector_store %arg5[%swap3A_101, %swap3A_102], %broadcast_in_dim3A_8 {strides = array<i32>} : memref<32x1024xf32, #tpu.memory_space<vmem>>, vector<16xf32>,
      %swap3A_104 = arith.index_cast %scan3A_92 : i32 to index
      %swap3A_105 = arith.constant 64 : index
      %swap3A_106 = tpu.vector_load %arg5[%swap3A_104, %swap3A_105] {strides = array<i32>} : memref<32x1024xf32, #tpu.memory_space<vmem>>, vector<16xf32>,
      tpu.vector_store %arg5[%swap3A_104, %swap3A_105], %broadcast_in_dim3A_8 {strides = array<i32>} : memref<32x1024xf32, #tpu.memory_space<vmem>>, vector<16xf32>,
      %swap3A_107 = arith.index_cast %scan3A_92 : i32 to index
      %swap3A_108 = arith.constant 80 : index
      %swap3A_109 = tpu.vector_load %arg5[%swap3A_107, %swap3A_108] {strides = array<i32>} : memref<32x1024xf32, #tpu.memory_space<vmem>>, vector<16xf32>,
      tpu.vector_store %arg5[%swap3A_107, %swap3A_108], %broadcast_in_dim3A_8 {strides = array<i32>} : memref<32x1024xf32, #tpu.memory_space<vmem>>, vector<16xf32>,
      %swap3A_110 = arith.index_cast %scan3A_92 : i32 to index
      %swap3A_111 = arith.constant 96 : index
      %swap3A_112 = tpu.vector_load %arg5[%swap3A_110, %swap3A_111] {strides = array<i32>} : memref<32x1024xf32, #tpu.memory_space<vmem>>, vector<16xf32>,
      tpu.vector_store %arg5[%swap3A_110, %swap3A_111], %broadcast_in_dim3A_8 {strides = array<i32>} : memref<32x1024xf32, #tpu.memory_space<vmem>>, vector<16xf32>,
      %swap3A_113 = arith.index_cast %scan3A_92 : i32 to index
      %swap3A_114 = arith.constant 112 : index
      %swap3A_115 = tpu.vector_load %arg5[%swap3A_113, %swap3A_114] {strides = array<i32>} : memref<32x1024xf32, #tpu.memory_space<vmem>>, vector<16xf32>,
      tpu.vector_store %arg5[%swap3A_113, %swap3A_114], %broadcast_in_dim3A_8 {strides = array<i32>} : memref<32x1024xf32, #tpu.memory_space<vmem>>, vector<16xf32>,
      %swap3A_116 = arith.index_cast %scan3A_92 : i32 to index
      %swap3A_117 = arith.constant 128 : index
      %swap3A_118 = tpu.vector_load %arg5[%swap3A_116, %swap3A_117] {strides = array<i32>} : memref<32x1024xf32, #tpu.memory_space<vmem>>, vector<16xf32>,
      tpu.vector_store %arg5[%swap3A_116, %swap3A_117], %broadcast_in_dim3A_8 {strides = array<i32>} : memref<32x1024xf32, #tpu.memory_space<vmem>>, vector<16xf32>,
      %swap3A_119 = arith.index_cast %scan3A_92 : i32 to index
      %swap3A_120 = arith.constant 144 : index
      %swap3A_121 = tpu.vector_load %arg5[%swap3A_119, %swap3A_120] {strides = array<i32>} : memref<32x1024xf32, #tpu.memory_space<vmem>>, vector<16xf32>,
      tpu.vector_store %arg5[%swap3A_119, %swap3A_120], %broadcast_in_dim3A_8 {strides = array<i32>} : memref<32x1024xf32, #tpu.memory_space<vmem>>, vector<16xf32>,
      %swap3A_122 = arith.index_cast %scan3A_92 : i32 to index
      %swap3A_123 = arith.constant 160 : index
      %swap3A_124 = tpu.vector_load %arg5[%swap3A_122, %swap3A_123] {strides = array<i32>} : memref<32x1024xf32, #tpu.memory_space<vmem>>, vector<16xf32>,
      tpu.vector_store %arg5[%swap3A_122, %swap3A_123], %broadcast_in_dim3A_8 {strides = array<i32>} : memref<32x1024xf32, #tpu.memory_space<vmem>>, vector<16xf32>,
      %swap3A_125 = arith.index_cast %scan3A_92 : i32 to index
      %swap3A_126 = arith.constant 176 : index
      %swap3A_127 = tpu.vector_load %arg5[%swap3A_125, %swap3A_126] {strides = array<i32>} : memref<32x1024xf32, #tpu.memory_space<vmem>>, vector<16xf32>,
      tpu.vector_store %arg5[%swap3A_125, %swap3A_126], %broadcast_in_dim3A_8 {strides = array<i32>} : memref<32x1024xf32, #tpu.memory_space<vmem>>, vector<16xf32>,
      %swap3A_128 = arith.index_cast %scan3A_92 : i32 to index
      %swap3A_129 = arith.constant 192 : index
      %swap3A_130 = tpu.vector_load %arg5[%swap3A_128, %swap3A_129] {strides = array<i32>} : memref<32x1024xf32, #tpu.memory_space<vmem>>, vector<16xf32>,
      tpu.vector_store %arg5[%swap3A_128, %swap3A_129], %broadcast_in_dim3A_8 {strides = array<i32>} : memref<32x1024xf32, #tpu.memory_space<vmem>>, vector<16xf32>,
      %swap3A_131 = arith.index_cast %scan3A_92 : i32 to index
      %swap3A_132 = arith.constant 208 : index
      %swap3A_133 = tpu.vector_load %arg5[%swap3A_131, %swap3A_132] {strides = array<i32>} : memref<32x1024xf32, #tpu.memory_space<vmem>>, vector<16xf32>,
      tpu.vector_store %arg5[%swap3A_131, %swap3A_132], %broadcast_in_dim3A_8 {strides = array<i32>} : memref<32x1024xf32, #tpu.memory_space<vmem>>, vector<16xf32>,
      %swap3A_134 = arith.index_cast %scan3A_92 : i32 to index
      %swap3A_135 = arith.constant 224 : index
      %swap3A_136 = tpu.vector_load %arg5[%swap3A_134, %swap3A_135] {strides = array<i32>} : memref<32x1024xf32, #tpu.memory_space<vmem>>, vector<16xf32>,
      tpu.vector_store %arg5[%swap3A_134, %swap3A_135], %broadcast_in_dim3A_8 {strides = array<i32>} : memref<32x1024xf32, #tpu.memory_space<vmem>>, vector<16xf32>,
      %swap3A_137 = arith.index_cast %scan3A_92 : i32 to index
      %swap3A_138 = arith.constant 240 : index
      %swap3A_139 = tpu.vector_load %arg5[%swap3A_137, %swap3A_138] {strides = array<i32>} : memref<32x1024xf32, #tpu.memory_space<vmem>>, vector<16xf32>,
      tpu.vector_store %arg5[%swap3A_137, %swap3A_138], %broadcast_in_dim3A_8 {strides = array<i32>} : memref<32x1024xf32, #tpu.memory_space<vmem>>, vector<16xf32>,
      %swap3A_140 = arith.index_cast %scan3A_92 : i32 to index
      %swap3A_141 = arith.constant 256 : index
      %swap3A_142 = tpu.vector_load %arg5[%swap3A_140, %swap3A_141] {strides = array<i32>} : memref<32x1024xf32, #tpu.memory_space<vmem>>, vector<16xf32>,
      tpu.vector_store %arg5[%swap3A_140, %swap3A_141], %broadcast_in_dim3A_8 {strides = array<i32>} : memref<32x1024xf32, #tpu.memory_space<vmem>>, vector<16xf32>,
      %swap3A_143 = arith.index_cast %scan3A_92 : i32 to index
      %swap3A_144 = arith.constant 272 : index
      %swap3A_145 = tpu.vector_load %arg5[%swap3A_143, %swap3A_144] {strides = array<i32>} : memref<32x1024xf32, #tpu.memory_space<vmem>>, vector<16xf32>,
      tpu.vector_store %arg5[%swap3A_143, %swap3A_144], %broadcast_in_dim3A_8 {strides = array<i32>} : memref<32x1024xf32, #tpu.memory_space<vmem>>, vector<16xf32>,
      %swap3A_146 = arith.index_cast %scan3A_92 : i32 to index
      %swap3A_147 = arith.constant 288 : index
      %swap3A_148 = tpu.vector_load %arg5[%swap3A_146, %swap3A_147] {strides = array<i32>} : memref<32x1024xf32, #tpu.memory_space<vmem>>, vector<16xf32>,
      tpu.vector_store %arg5[%swap3A_146, %swap3A_147], %broadcast_in_dim3A_8 {strides = array<i32>} : memref<32x1024xf32, #tpu.memory_space<vmem>>, vector<16xf32>,
      %swap3A_149 = arith.index_cast %scan3A_92 : i32 to index
      %swap3A_150 = arith.constant 304 : index
      %swap3A_151 = tpu.vector_load %arg5[%swap3A_149, %swap3A_150] {strides = array<i32>} : memref<32x1024xf32, #tpu.memory_space<vmem>>, vector<16xf32>,
      tpu.vector_store %arg5[%swap3A_149, %swap3A_150], %broadcast_in_dim3A_8 {strides = array<i32>} : memref<32x1024xf32, #tpu.memory_space<vmem>>, vector<16xf32>,
      %swap3A_152 = arith.index_cast %scan3A_92 : i32 to index
      %swap3A_153 = arith.constant 320 : index
      %swap3A_154 = tpu.vector_load %arg5[%swap3A_152, %swap3A_153] {strides = array<i32>} : memref<32x1024xf32, #tpu.memory_space<vmem>>, vector<16xf32>,
      tpu.vector_store %arg5[%swap3A_152, %swap3A_153], %broadcast_in_dim3A_8 {strides = array<i32>} : memref<32x1024xf32, #tpu.memory_space<vmem>>, vector<16xf32>,
      %swap3A_155 = arith.index_cast %scan3A_92 : i32 to index
      %swap3A_156 = arith.constant 336 : index
      %swap3A_157 = tpu.vector_load %arg5[%swap3A_155, %swap3A_156] {strides = array<i32>} : memref<32x1024xf32, #tpu.memory_space<vmem>>, vector<16xf32>,
      tpu.vector_store %arg5[%swap3A_155, %swap3A_156], %broadcast_in_dim3A_8 {strides = array<i32>} : memref<32x1024xf32, #tpu.memory_space<vmem>>, vector<16xf32>,
      %swap3A_158 = arith.index_cast %scan3A_92 : i32 to index
      %swap3A_159 = arith.constant 352 : index
      %swap3A_160 = tpu.vector_load %arg5[%swap3A_158, %swap3A_159] {strides = array<i32>} : memref<32x1024xf32, #tpu.memory_space<vmem>>, vector<16xf32>,
      tpu.vector_store %arg5[%swap3A_158, %swap3A_159], %broadcast_in_dim3A_8 {strides = array<i32>} : memref<32x1024xf32, #tpu.memory_space<vmem>>, vector<16xf32>,
      %swap3A_161 = arith.index_cast %scan3A_92 : i32 to index
      %swap3A_162 = arith.constant 368 : index
      %swap3A_163 = tpu.vector_load %arg5[%swap3A_161, %swap3A_162] {strides = array<i32>} : memref<32x1024xf32, #tpu.memory_space<vmem>>, vector<16xf32>,
      tpu.vector_store %arg5[%swap3A_161, %swap3A_162], %broadcast_in_dim3A_8 {strides = array<i32>} : memref<32x1024xf32, #tpu.memory_space<vmem>>, vector<16xf32>,
      %swap3A_164 = arith.index_cast %scan3A_92 : i32 to index
      %swap3A_165 = arith.constant 384 : index
      %swap3A_166 = tpu.vector_load %arg5[%swap3A_164, %swap3A_165] {strides = array<i32>} : memref<32x1024xf32, #tpu.memory_space<vmem>>, vector<16xf32>,
      tpu.vector_store %arg5[%swap3A_164, %swap3A_165], %broadcast_in_dim3A_8 {strides = array<i32>} : memref<32x1024xf32, #tpu.memory_space<vmem>>, vector<16xf32>,
      %swap3A_167 = arith.index_cast %scan3A_92 : i32 to index
      %swap3A_168 = arith.constant 400 : index
      %swap3A_169 = tpu.vector_load %arg5[%swap3A_167, %swap3A_168] {strides = array<i32>} : memref<32x1024xf32, #tpu.memory_space<vmem>>, vector<16xf32>,
      tpu.vector_store %arg5[%swap3A_167, %swap3A_168], %broadcast_in_dim3A_8 {strides = array<i32>} : memref<32x1024xf32, #tpu.memory_space<vmem>>, vector<16xf32>,
      %swap3A_170 = arith.index_cast %scan3A_92 : i32 to index
      %swap3A_171 = arith.constant 416 : index
      %swap3A_172 = tpu.vector_load %arg5[%swap3A_170, %swap3A_171] {strides = array<i32>} : memref<32x1024xf32, #tpu.memory_space<vmem>>, vector<16xf32>,
      tpu.vector_store %arg5[%swap3A_170, %swap3A_171], %broadcast_in_dim3A_8 {strides = array<i32>} : memref<32x1024xf32, #tpu.memory_space<vmem>>, vector<16xf32>,
      %swap3A_173 = arith.index_cast %scan3A_92 : i32 to index
      %swap3A_174 = arith.constant 432 : index
      %swap3A_175 = tpu.vector_load %arg5[%swap3A_173, %swap3A_174] {strides = array<i32>} : memref<32x1024xf32, #tpu.memory_space<vmem>>, vector<16xf32>,
      tpu.vector_store %arg5[%swap3A_173, %swap3A_174], %broadcast_in_dim3A_8 {strides = array<i32>} : memref<32x1024xf32, #tpu.memory_space<vmem>>, vector<16xf32>,
      %swap3A_176 = arith.index_cast %scan3A_92 : i32 to index
      %swap3A_177 = arith.constant 448 : index
      %swap3A_178 = tpu.vector_load %arg5[%swap3A_176, %swap3A_177] {strides = array<i32>} : memref<32x1024xf32, #tpu.memory_space<vmem>>, vector<16xf32>,
      tpu.vector_store %arg5[%swap3A_176, %swap3A_177], %broadcast_in_dim3A_8 {strides = array<i32>} : memref<32x1024xf32, #tpu.memory_space<vmem>>, vector<16xf32>,
      %swap3A_179 = arith.index_cast %scan3A_92 : i32 to index
      %swap3A_180 = arith.constant 464 : index
      %swap3A_181 = tpu.vector_load %arg5[%swap3A_179, %swap3A_180] {strides = array<i32>} : memref<32x1024xf32, #tpu.memory_space<vmem>>, vector<16xf32>,
      tpu.vector_store %arg5[%swap3A_179, %swap3A_180], %broadcast_in_dim3A_8 {strides = array<i32>} : memref<32x1024xf32, #tpu.memory_space<vmem>>, vector<16xf32>,
      %swap3A_182 = arith.index_cast %scan3A_92 : i32 to index
      %swap3A_183 = arith.constant 480 : index
      %swap3A_184 = tpu.vector_load %arg5[%swap3A_182, %swap3A_183] {strides = array<i32>} : memref<32x1024xf32, #tpu.memory_space<vmem>>, vector<16xf32>,
      tpu.vector_store %arg5[%swap3A_182, %swap3A_183], %broadcast_in_dim3A_8 {strides = array<i32>} : memref<32x1024xf32, #tpu.memory_space<vmem>>, vector<16xf32>,
      %swap3A_185 = arith.index_cast %scan3A_92 : i32 to index
      %swap3A_186 = arith.constant 496 : index
      %swap3A_187 = tpu.vector_load %arg5[%swap3A_185, %swap3A_186] {strides = array<i32>} : memref<32x1024xf32, #tpu.memory_space<vmem>>, vector<16xf32>,
      tpu.vector_store %arg5[%swap3A_185, %swap3A_186], %broadcast_in_dim3A_8 {strides = array<i32>} : memref<32x1024xf32, #tpu.memory_space<vmem>>, vector<16xf32>,
      %swap3A_188 = arith.index_cast %scan3A_92 : i32 to index
      %swap3A_189 = arith.constant 512 : index
      %swap3A_190 = tpu.vector_load %arg5[%swap3A_188, %swap3A_189] {strides = array<i32>} : memref<32x1024xf32, #tpu.memory_space<vmem>>, vector<16xf32>,
      tpu.vector_store %arg5[%swap3A_188, %swap3A_189], %broadcast_in_dim3A_8 {strides = array<i32>} : memref<32x1024xf32, #tpu.memory_space<vmem>>, vector<16xf32>,
      %swap3A_191 = arith.index_cast %scan3A_92 : i32 to index
      %swap3A_192 = arith.constant 528 : index
      %swap3A_193 = tpu.vector_load %arg5[%swap3A_191, %swap3A_192] {strides = array<i32>} : memref<32x1024xf32, #tpu.memory_space<vmem>>, vector<16xf32>,
      tpu.vector_store %arg5[%swap3A_191, %swap3A_192], %broadcast_in_dim3A_8 {strides = array<i32>} : memref<32x1024xf32, #tpu.memory_space<vmem>>, vector<16xf32>,
      %swap3A_194 = arith.index_cast %scan3A_92 : i32 to index
      %swap3A_195 = arith.constant 544 : index
      %swap3A_196 = tpu.vector_load %arg5[%swap3A_194, %swap3A_195] {strides = array<i32>} : memref<32x1024xf32, #tpu.memory_space<vmem>>, vector<16xf32>,
      tpu.vector_store %arg5[%swap3A_194, %swap3A_195], %broadcast_in_dim3A_8 {strides = array<i32>} : memref<32x1024xf32, #tpu.memory_space<vmem>>, vector<16xf32>,
      %swap3A_197 = arith.index_cast %scan3A_92 : i32 to index
      %swap3A_198 = arith.constant 560 : index
      %swap3A_199 = tpu.vector_load %arg5[%swap3A_197, %swap3A_198] {strides = array<i32>} : memref<32x1024xf32, #tpu.memory_space<vmem>>, vector<16xf32>,
      tpu.vector_store %arg5[%swap3A_197, %swap3A_198], %broadcast_in_dim3A_8 {strides = array<i32>} : memref<32x1024xf32, #tpu.memory_space<vmem>>, vector<16xf32>,
      %swap3A_200 = arith.index_cast %scan3A_92 : i32 to index
      %swap3A_201 = arith.constant 576 : index
      %swap3A_202 = tpu.vector_load %arg5[%swap3A_200, %swap3A_201] {strides = array<i32>} : memref<32x1024xf32, #tpu.memory_space<vmem>>, vector<16xf32>,
      tpu.vector_store %arg5[%swap3A_200, %swap3A_201], %broadcast_in_dim3A_8 {strides = array<i32>} : memref<32x1024xf32, #tpu.memory_space<vmem>>, vector<16xf32>,
      %swap3A_203 = arith.index_cast %scan3A_92 : i32 to index
      %swap3A_204 = arith.constant 592 : index
      %swap3A_205 = tpu.vector_load %arg5[%swap3A_203, %swap3A_204] {strides = array<i32>} : memref<32x1024xf32, #tpu.memory_space<vmem>>, vector<16xf32>,
      tpu.vector_store %arg5[%swap3A_203, %swap3A_204], %broadcast_in_dim3A_8 {strides = array<i32>} : memref<32x1024xf32, #tpu.memory_space<vmem>>, vector<16xf32>,
      %swap3A_206 = arith.index_cast %scan3A_92 : i32 to index
      %swap3A_207 = arith.constant 608 : index
      %swap3A_208 = tpu.vector_load %arg5[%swap3A_206, %swap3A_207] {strides = array<i32>} : memref<32x1024xf32, #tpu.memory_space<vmem>>, vector<16xf32>,
      tpu.vector_store %arg5[%swap3A_206, %swap3A_207], %broadcast_in_dim3A_8 {strides = array<i32>} : memref<32x1024xf32, #tpu.memory_space<vmem>>, vector<16xf32>,
      %swap3A_209 = arith.index_cast %scan3A_92 : i32 to index
      %swap3A_210 = arith.constant 624 : index
      %swap3A_211 = tpu.vector_load %arg5[%swap3A_209, %swap3A_210] {strides = array<i32>} : memref<32x1024xf32, #tpu.memory_space<vmem>>, vector<16xf32>,
      tpu.vector_store %arg5[%swap3A_209, %swap3A_210], %broadcast_in_dim3A_8 {strides = array<i32>} : memref<32x1024xf32, #tpu.memory_space<vmem>>, vector<16xf32>,
      %swap3A_212 = arith.index_cast %scan3A_92 : i32 to index
      %swap3A_213 = arith.constant 640 : index
      %swap3A_214 = tpu.vector_load %arg5[%swap3A_212, %swap3A_213] {strides = array<i32>} : memref<32x1024xf32, #tpu.memory_space<vmem>>, vector<16xf32>,
      tpu.vector_store %arg5[%swap3A_212, %swap3A_213], %broadcast_in_dim3A_8 {strides = array<i32>} : memref<32x1024xf32, #tpu.memory_space<vmem>>, vector<16xf32>,
      %swap3A_215 = arith.index_cast %scan3A_92 : i32 to index
      %swap3A_216 = arith.constant 656 : index
      %swap3A_217 = tpu.vector_load %arg5[%swap3A_215, %swap3A_216] {strides = array<i32>} : memref<32x1024xf32, #tpu.memory_space<vmem>>, vector<16xf32>,
      tpu.vector_store %arg5[%swap3A_215, %swap3A_216], %broadcast_in_dim3A_8 {strides = array<i32>} : memref<32x1024xf32, #tpu.memory_space<vmem>>, vector<16xf32>,
      %swap3A_218 = arith.index_cast %scan3A_92 : i32 to index
      %swap3A_219 = arith.constant 672 : index
      %swap3A_220 = tpu.vector_load %arg5[%swap3A_218, %swap3A_219] {strides = array<i32>} : memref<32x1024xf32, #tpu.memory_space<vmem>>, vector<16xf32>,
      tpu.vector_store %arg5[%swap3A_218, %swap3A_219], %broadcast_in_dim3A_8 {strides = array<i32>} : memref<32x1024xf32, #tpu.memory_space<vmem>>, vector<16xf32>,
      %swap3A_221 = arith.index_cast %scan3A_92 : i32 to index
      %swap3A_222 = arith.constant 688 : index
      %swap3A_223 = tpu.vector_load %arg5[%swap3A_221, %swap3A_222] {strides = array<i32>} : memref<32x1024xf32, #tpu.memory_space<vmem>>, vector<16xf32>,
      tpu.vector_store %arg5[%swap3A_221, %swap3A_222], %broadcast_in_dim3A_8 {strides = array<i32>} : memref<32x1024xf32, #tpu.memory_space<vmem>>, vector<16xf32>,
      %swap3A_224 = arith.index_cast %scan3A_92 : i32 to index
      %swap3A_225 = arith.constant 704 : index
      %swap3A_226 = tpu.vector_load %arg5[%swap3A_224, %swap3A_225] {strides = array<i32>} : memref<32x1024xf32, #tpu.memory_space<vmem>>, vector<16xf32>,
      tpu.vector_store %arg5[%swap3A_224, %swap3A_225], %broadcast_in_dim3A_8 {strides = array<i32>} : memref<32x1024xf32, #tpu.memory_space<vmem>>, vector<16xf32>,
      %swap3A_227 = arith.index_cast %scan3A_92 : i32 to index
      %swap3A_228 = arith.constant 720 : index
      %swap3A_229 = tpu.vector_load %arg5[%swap3A_227, %swap3A_228] {strides = array<i32>} : memref<32x1024xf32, #tpu.memory_space<vmem>>, vector<16xf32>,
      tpu.vector_store %arg5[%swap3A_227, %swap3A_228], %broadcast_in_dim3A_8 {strides = array<i32>} : memref<32x1024xf32, #tpu.memory_space<vmem>>, vector<16xf32>,
      %swap3A_230 = arith.index_cast %scan3A_92 : i32 to index
      %swap3A_231 = arith.constant 736 : index
      %swap3A_232 = tpu.vector_load %arg5[%swap3A_230, %swap3A_231] {strides = array<i32>} : memref<32x1024xf32, #tpu.memory_space<vmem>>, vector<16xf32>,
      tpu.vector_store %arg5[%swap3A_230, %swap3A_231], %broadcast_in_dim3A_8 {strides = array<i32>} : memref<32x1024xf32, #tpu.memory_space<vmem>>, vector<16xf32>,
      %swap3A_233 = arith.index_cast %scan3A_92 : i32 to index
      %swap3A_234 = arith.constant 752 : index
      %swap3A_235 = tpu.vector_load %arg5[%swap3A_233, %swap3A_234] {strides = array<i32>} : memref<32x1024xf32, #tpu.memory_space<vmem>>, vector<16xf32>,
      tpu.vector_store %arg5[%swap3A_233, %swap3A_234], %broadcast_in_dim3A_8 {strides = array<i32>} : memref<32x1024xf32, #tpu.memory_space<vmem>>, vector<16xf32>,
      %swap3A_236 = arith.index_cast %scan3A_92 : i32 to index
      %swap3A_237 = arith.constant 768 : index
      %swap3A_238 = tpu.vector_load %arg5[%swap3A_236, %swap3A_237] {strides = array<i32>} : memref<32x1024xf32, #tpu.memory_space<vmem>>, vector<16xf32>,
      tpu.vector_store %arg5[%swap3A_236, %swap3A_237], %broadcast_in_dim3A_8 {strides = array<i32>} : memref<32x1024xf32, #tpu.memory_space<vmem>>, vector<16xf32>,
      %swap3A_239 = arith.index_cast %scan3A_92 : i32 to index
      %swap3A_240 = arith.constant 784 : index
      %swap3A_241 = tpu.vector_load %arg5[%swap3A_239, %swap3A_240] {strides = array<i32>} : memref<32x1024xf32, #tpu.memory_space<vmem>>, vector<16xf32>,
      tpu.vector_store %arg5[%swap3A_239, %swap3A_240], %broadcast_in_dim3A_8 {strides = array<i32>} : memref<32x1024xf32, #tpu.memory_space<vmem>>, vector<16xf32>,
      %swap3A_242 = arith.index_cast %scan3A_92 : i32 to index
      %swap3A_243 = arith.constant 800 : index
      %swap3A_244 = tpu.vector_load %arg5[%swap3A_242, %swap3A_243] {strides = array<i32>} : memref<32x1024xf32, #tpu.memory_space<vmem>>, vector<16xf32>,
      tpu.vector_store %arg5[%swap3A_242, %swap3A_243], %broadcast_in_dim3A_8 {strides = array<i32>} : memref<32x1024xf32, #tpu.memory_space<vmem>>, vector<16xf32>,
      %swap3A_245 = arith.index_cast %scan3A_92 : i32 to index
      %swap3A_246 = arith.constant 816 : index
      %swap3A_247 = tpu.vector_load %arg5[%swap3A_245, %swap3A_246] {strides = array<i32>} : memref<32x1024xf32, #tpu.memory_space<vmem>>, vector<16xf32>,
      tpu.vector_store %arg5[%swap3A_245, %swap3A_246], %broadcast_in_dim3A_8 {strides = array<i32>} : memref<32x1024xf32, #tpu.memory_space<vmem>>, vector<16xf32>,
      %swap3A_248 = arith.index_cast %scan3A_92 : i32 to index
      %swap3A_249 = arith.constant 832 : index
      %swap3A_250 = tpu.vector_load %arg5[%swap3A_248, %swap3A_249] {strides = array<i32>} : memref<32x1024xf32, #tpu.memory_space<vmem>>, vector<16xf32>,
      tpu.vector_store %arg5[%swap3A_248, %swap3A_249], %broadcast_in_dim3A_8 {strides = array<i32>} : memref<32x1024xf32, #tpu.memory_space<vmem>>, vector<16xf32>,
      %swap3A_251 = arith.index_cast %scan3A_92 : i32 to index
      %swap3A_252 = arith.constant 848 : index
      %swap3A_253 = tpu.vector_load %arg5[%swap3A_251, %swap3A_252] {strides = array<i32>} : memref<32x1024xf32, #tpu.memory_space<vmem>>, vector<16xf32>,
      tpu.vector_store %arg5[%swap3A_251, %swap3A_252], %broadcast_in_dim3A_8 {strides = array<i32>} : memref<32x1024xf32, #tpu.memory_space<vmem>>, vector<16xf32>,
      %swap3A_254 = arith.index_cast %scan3A_92 : i32 to index
      %swap3A_255 = arith.constant 864 : index
      %swap3A_256 = tpu.vector_load %arg5[%swap3A_254, %swap3A_255] {strides = array<i32>} : memref<32x1024xf32, #tpu.memory_space<vmem>>, vector<16xf32>,
      tpu.vector_store %arg5[%swap3A_254, %swap3A_255], %broadcast_in_dim3A_8 {strides = array<i32>} : memref<32x1024xf32, #tpu.memory_space<vmem>>, vector<16xf32>,
      %swap3A_257 = arith.index_cast %scan3A_92 : i32 to index
      %swap3A_258 = arith.constant 880 : index
      %swap3A_259 = tpu.vector_load %arg5[%swap3A_257, %swap3A_258] {strides = array<i32>} : memref<32x1024xf32, #tpu.memory_space<vmem>>, vector<16xf32>,
      tpu.vector_store %arg5[%swap3A_257, %swap3A_258], %broadcast_in_dim3A_8 {strides = array<i32>} : memref<32x1024xf32, #tpu.memory_space<vmem>>, vector<16xf32>,
      %swap3A_260 = arith.index_cast %scan3A_92 : i32 to index
      %swap3A_261 = arith.constant 896 : index
      %swap3A_262 = tpu.vector_load %arg5[%swap3A_260, %swap3A_261] {strides = array<i32>} : memref<32x1024xf32, #tpu.memory_space<vmem>>, vector<16xf32>,
      tpu.vector_store %arg5[%swap3A_260, %swap3A_261], %broadcast_in_dim3A_8 {strides = array<i32>} : memref<32x1024xf32, #tpu.memory_space<vmem>>, vector<16xf32>,
      %swap3A_263 = arith.index_cast %scan3A_92 : i32 to index
      %swap3A_264 = arith.constant 912 : index
      %swap3A_265 = tpu.vector_load %arg5[%swap3A_263, %swap3A_264] {strides = array<i32>} : memref<32x1024xf32, #tpu.memory_space<vmem>>, vector<16xf32>,
      tpu.vector_store %arg5[%swap3A_263, %swap3A_264], %broadcast_in_dim3A_8 {strides = array<i32>} : memref<32x1024xf32, #tpu.memory_space<vmem>>, vector<16xf32>,
      %swap3A_266 = arith.index_cast %scan3A_92 : i32 to index
      %swap3A_267 = arith.constant 928 : index
      %swap3A_268 = tpu.vector_load %arg5[%swap3A_266, %swap3A_267] {strides = array<i32>} : memref<32x1024xf32, #tpu.memory_space<vmem>>, vector<16xf32>,
      tpu.vector_store %arg5[%swap3A_266, %swap3A_267], %broadcast_in_dim3A_8 {strides = array<i32>} : memref<32x1024xf32, #tpu.memory_space<vmem>>, vector<16xf32>,
      %swap3A_269 = arith.index_cast %scan3A_92 : i32 to index
      %swap3A_270 = arith.constant 944 : index
      %swap3A_271 = tpu.vector_load %arg5[%swap3A_269, %swap3A_270] {strides = array<i32>} : memref<32x1024xf32, #tpu.memory_space<vmem>>, vector<16xf32>,
      tpu.vector_store %arg5[%swap3A_269, %swap3A_270], %broadcast_in_dim3A_8 {strides = array<i32>} : memref<32x1024xf32, #tpu.memory_space<vmem>>, vector<16xf32>,
      %swap3A_272 = arith.index_cast %scan3A_92 : i32 to index
      %swap3A_273 = arith.constant 960 : index
      %swap3A_274 = tpu.vector_load %arg5[%swap3A_272, %swap3A_273] {strides = array<i32>} : memref<32x1024xf32, #tpu.memory_space<vmem>>, vector<16xf32>,
      tpu.vector_store %arg5[%swap3A_272, %swap3A_273], %broadcast_in_dim3A_8 {strides = array<i32>} : memref<32x1024xf32, #tpu.memory_space<vmem>>, vector<16xf32>,
      %swap3A_275 = arith.index_cast %scan3A_92 : i32 to index
      %swap3A_276 = arith.constant 976 : index
      %swap3A_277 = tpu.vector_load %arg5[%swap3A_275, %swap3A_276] {strides = array<i32>} : memref<32x1024xf32, #tpu.memory_space<vmem>>, vector<16xf32>,
      tpu.vector_store %arg5[%swap3A_275, %swap3A_276], %broadcast_in_dim3A_8 {strides = array<i32>} : memref<32x1024xf32, #tpu.memory_space<vmem>>, vector<16xf32>,
      %swap3A_278 = arith.index_cast %scan3A_92 : i32 to index
      %swap3A_279 = arith.constant 992 : index
      %swap3A_280 = tpu.vector_load %arg5[%swap3A_278, %swap3A_279] {strides = array<i32>} : memref<32x1024xf32, #tpu.memory_space<vmem>>, vector<16xf32>,
      tpu.vector_store %arg5[%swap3A_278, %swap3A_279], %broadcast_in_dim3A_8 {strides = array<i32>} : memref<32x1024xf32, #tpu.memory_space<vmem>>, vector<16xf32>,
      %swap3A_281 = arith.index_cast %scan3A_92 : i32 to index
      %swap3A_282 = arith.constant 1008 : index
      %swap3A_283 = tpu.vector_load %arg5[%swap3A_281, %swap3A_282] {strides = array<i32>} : memref<32x1024xf32, #tpu.memory_space<vmem>>, vector<16xf32>,
      tpu.vector_store %arg5[%swap3A_281, %swap3A_282], %broadcast_in_dim3A_8 {strides = array<i32>} : memref<32x1024xf32, #tpu.memory_space<vmem>>, vector<16xf32>,
    }
    %scan3A_48 = arith.constant 16 : i32
    %get3A_49 = arith.constant 16 : index
    %get3A_50 = tpu.vector_load %arg7[%get3A_49] {strides = array<i32>} : memref<32xi32, #tpu.memory_space<vmem>>, vector<16xi32>,
    %add3A_51 = arith.constant 16 : i32
    %add3A_52 = vector.broadcast %add3A_51 : i32 to vector<16xi32>
    %add3A_53 = arith.addi %iota3A, %add3A_52 : vector<16xi32>
    %scan3A_54 = arith.constant 0 : i32
    %scan3A_55 = arith.constant 0 : i32
    %scan3A_56 = arith.constant 64 : i32
    %scan3A_57 = arith.addi %scan3A_55, %scan3A_56 : i32
    %scan3A_58 = arith.constant 1 : i32
    scf.for %scan3A_92 = %scan3A_55 to %scan3A_57 step %scan3A_58  : i32 {
      %broadcast_in_dim3A_93 = vector.broadcast %scan3A_92 : i32 to vector<16xi32>
      %gather3A = tpu.vector_load_idx %arg6[%add3A_53, %broadcast_in_dim3A_93] : memref<32x64xi32, #tpu.memory_space<vmem>>[vector<16xi32>, vector<16xi32>], vector<16xi32>,
      %gt3A = vector.broadcast %scan3A_92 : i32 to vector<16xi32>
      %gt3A_94 = arith.cmpi sgt, %get3A_50, %gt3A : vector<16xi32>
      tpu.vector_store_idx %arg5[%add3A_53, %gather3A], %broadcast_in_dim3A_10 masked %gt3A_94 {add = true} : memref<32x1024xf32, #tpu.memory_space<vmem>>[vector<16xi32>, vector<16xi32>], vector<16xf32>, vector<16xi1>
    }
    %scan3A_59 = arith.constant 64 : i32
    %add3A_60 = arith.constant 16 : i32
    %add3A_61 = arith.addi %mul3A_2, %add3A_60 : i32
    %dma_start3A_62 = arith.constant 16 : i32
    %dma_start3A_63 = arith.constant 0 : i32
    %dma_start3A_64 = tpu.memref_slice %arg5[%dma_start3A_62, %dma_start3A_63] : memref<32x1024xf32, #tpu.memory_space<vmem>> -> memref<16x1024xf32, #tpu.memory_space<vmem>>
    %dma_start3A_65 = arith.constant 0 : i32
    %dma_start3A_66 = tpu.memref_slice %arg4[%add3A_61, %dma_start3A_65] : memref<1024x1024xf32, #tpu.memory_space<hbm>> -> memref<16x1024xf32, #tpu.memory_space<hbm>>
    %dma_start3A_67 = arith.constant 0 : i32
    %dma_start3A_68 = tpu.memref_slice %arg4[%add3A_61, %dma_start3A_67] : memref<1024x1024xf32, #tpu.memory_space<hbm>> -> memref<16x1024xf32, #tpu.memory_space<hbm>>
    %dma_start3A_69 = arith.constant 16 : i32
    %dma_start3A_70 = arith.constant 0 : i32
    %dma_start3A_71 = tpu.memref_slice %arg5[%dma_start3A_69, %dma_start3A_70] : memref<32x1024xf32, #tpu.memory_space<vmem>> -> memref<16x1024xf32, #tpu.memory_space<vmem>>
    tpu.enqueue_dma source(%dma_start3A_71 : memref<16x1024xf32, #tpu.memory_space<vmem>>) target(%dma_start3A_68 : memref<16x1024xf32, #tpu.memory_space<hbm>>) target_semaphore(%arg8 : memref<!tpu.dma_semaphore, #tpu.memory_space<semaphore_mem>>)
    %dma_wait3A_72 = arith.constant 0 : i32
    %dma_wait3A_73 = arith.constant 0 : i32
    %dma_wait3A_74 = tpu.memref_slice %arg5[%dma_wait3A_72, %dma_wait3A_73] : memref<32x1024xf32, #tpu.memory_space<vmem>> -> memref<16x1024xf32, #tpu.memory_space<vmem>>
    %dma_wait3A_75 = arith.constant 0 : i32
    %dma_wait3A_76 = tpu.memref_slice %arg4[%add3A_32, %dma_wait3A_75] : memref<1024x1024xf32, #tpu.memory_space<hbm>> -> memref<16x1024xf32, #tpu.memory_space<hbm>>
    %dma_wait3A_77 = arith.constant 0 : i32
    %dma_wait3A_78 = tpu.memref_slice %arg4[%add3A_32, %dma_wait3A_77] : memref<1024x1024xf32, #tpu.memory_space<hbm>> -> memref<16x1024xf32, #tpu.memory_space<hbm>>
    %dma_wait3A_79 = arith.constant 0 : i32
    %dma_wait3A_80 = arith.constant 0 : i32
    %dma_wait3A_81 = tpu.memref_slice %arg5[%dma_wait3A_79, %dma_wait3A_80] : memref<32x1024xf32, #tpu.memory_space<vmem>> -> memref<16x1024xf32, #tpu.memory_space<vmem>>
    tpu.wait_dma2 semaphore(%arg8 : memref<!tpu.dma_semaphore, #tpu.memory_space<semaphore_mem>>) src(%dma_wait3A_81 : memref<16x1024xf32, #tpu.memory_space<vmem>>) dst(%dma_wait3A_78 : memref<16x1024xf32, #tpu.memory_space<hbm>>)
    %dma_wait3A_82 = arith.constant 16 : i32
    %dma_wait3A_83 = arith.constant 0 : i32
    %dma_wait3A_84 = tpu.memref_slice %arg5[%dma_wait3A_82, %dma_wait3A_83] : memref<32x1024xf32, #tpu.memory_space<vmem>> -> memref<16x1024xf32, #tpu.memory_space<vmem>>
    %dma_wait3A_85 = arith.constant 0 : i32
    %dma_wait3A_86 = tpu.memref_slice %arg4[%add3A_61, %dma_wait3A_85] : memref<1024x1024xf32, #tpu.memory_space<hbm>> -> memref<16x1024xf32, #tpu.memory_space<hbm>>
    %dma_wait3A_87 = arith.constant 0 : i32
    %dma_wait3A_88 = tpu.memref_slice %arg4[%add3A_61, %dma_wait3A_87] : memref<1024x1024xf32, #tpu.memory_space<hbm>> -> memref<16x1024xf32, #tpu.memory_space<hbm>>
    %dma_wait3A_89 = arith.constant 16 : i32
    %dma_wait3A_90 = arith.constant 0 : i32
    %dma_wait3A_91 = tpu.memref_slice %arg5[%dma_wait3A_89, %dma_wait3A_90] : memref<32x1024xf32, #tpu.memory_space<vmem>> -> memref<16x1024xf32, #tpu.memory_space<vmem>>
    tpu.wait_dma2 semaphore(%arg8 : memref<!tpu.dma_semaphore, #tpu.memory_space<semaphore_mem>>) src(%dma_wait3A_91 : memref<16x1024xf32, #tpu.memory_space<vmem>>) dst(%dma_wait3A_88 : memref<16x1024xf32, #tpu.memory_space<hbm>>)
    return
  }
}

module attributes {stable_mosaic.version = 14 : i64} {
  func.func @_matmul_body(%arg0: i32, %arg1: memref<1024x1024xf32, #tpu.memory_space<vmem>>, %arg2: memref<1024x1024xbf16, #tpu.memory_space<vmem>>, %arg3: memref<1024x1024xf32, #tpu.memory_space<vmem>>) attributes {dimension_semantics = [#tpu.dimension_semantics<arbitrary>], iteration_bounds = array<i64: 1>, scalar_prefetch = 0 : i64, scratch_operands = 0 : i64, tpu.core_type = #tpu.core_type<tc>, window_params = [{transform_indices = @transform_0, window_bounds = array<i64: 1024, 1024>}, {pipeline_mode = #tpu.pipeline_mode<synchronous>, transform_indices = @transform_1, window_bounds = array<i64: 1024, 1024>}, {transform_indices = @transform_2, window_bounds = array<i64: 1024, 1024>}]} {
    %get3A = arith.constant 0 : index
    %get3A_0 = arith.constant 0 : index
    %get3A_1 = vector.load %arg1[%get3A, %get3A_0] : memref<1024x1024xf32, #tpu.memory_space<vmem>>, vector<1024x1024xf32>
    %convert_element_type3A = arith.truncf %get3A_1 : vector<1024x1024xf32> to vector<1024x1024xbf16>
    %get3A_2 = arith.constant 0 : index
    %get3A_3 = arith.constant 0 : index
    %get3A_4 = vector.load %arg2[%get3A_2, %get3A_3] : memref<1024x1024xbf16, #tpu.memory_space<vmem>>, vector<1024x1024xbf16>
    %dot_general3A = arith.constant dense<0.000000e+00> : vector<1024x1024xf32>
    %dot_general3A_5 = tpu.matmul %convert_element_type3A, %get3A_4, %dot_general3A {dimension_numbers = #tpu.dot_dimension_numbers<[1], [1], [0], [0], [0, 0, 1, 0], [], []>, transpose_lhs_hint = false} : vector<1024x1024xbf16>, vector<1024x1024xbf16>, vector<1024x1024xf32> -> vector<1024x1024xf32>
    %swap3A = arith.constant 0 : index
    %swap3A_6 = arith.constant 0 : index
    %swap3A_7 = vector.load %arg3[%swap3A, %swap3A_6] : memref<1024x1024xf32, #tpu.memory_space<vmem>>, vector<1024x1024xf32>
    tpu.vector_store %arg3[%swap3A, %swap3A_6], %dot_general3A_5 {strides = array<i32>} : memref<1024x1024xf32, #tpu.memory_space<vmem>>, vector<1024x1024xf32>,
    return
  }
  func.func @transform_0(%arg0: i32) -> (i32, i32) {
    %c0_i32 = arith.constant 0 : i32
    %c0_i32_0 = arith.constant 0 : i32
    return %arg0, %c0_i32 : i32, i32
  }
  func.func @transform_1(%arg0: i32) -> (i32, i32) {
    %c0_i32 = arith.constant 0 : i32
    %c0_i32_0 = arith.constant 0 : i32
    %c0_i32_1 = arith.constant 0 : i32
    return %c0_i32, %c0_i32_0 : i32, i32
  }
  func.func @transform_2(%arg0: i32) -> (i32, i32) {
    %c0_i32 = arith.constant 0 : i32
    %c0_i32_0 = arith.constant 0 : i32
    return %arg0, %c0_i32 : i32, i32
  }
}

</mosaic_0001>

<sc_bundles>
// kernel: kernel.4.cloned.1.call-start
scs
__scs_entry_jumppad:
0x0: {  	(pc) =	sbr.rel $0x88, $3  }
0x1: {  	(tag) =	ssettag $0x0;
	lr =	simm.s32 $0x1  }
0x2: {  	[smem:$0x3F9E] =	sst lr;
	_ =	strace $0xD0000000  }
0x3: {  	_ = 	snop  }
0x4: {  	_ = 	snop  }
0x5: {  	_ = 	snop  }
0x6: {  	_ = 	snop  }
0x7: {  	_ = 	snop  }
__scs_overlays_trampoline_lowered:
0x8: {  	[smem:$0x3FAD] =	sst s0  }
0x9: {  	[smem:$0x3FAE] =	sst s1  }
0xa: {  	[smem:$0x3FAF] =	sst s2  }
0xb: {  	[smem:$0x3FB0] =	sst s3  }
0xc: {  	[smem:$0x3FB1] =	sst s4  }
0xd: {  	[smem:$0x3FB2] =	sst s5  }
0xe: {  	[smem:$0x3FB3] =	sst s6  }
0xf: {  	[smem:$0x3FB4] =	sst s7  }
0x10: {  	[smem:$0x3FB5] =	sst s8  }
0x11: {  	[smem:$0x3FB6] =	sst s9;
	s0 =	simm.s32 @!p0 $0x0  }
0x12: {  	s1 =	sld [smem:$0x3F9C];
	s0 =	simm.s32 @p0 $0x1  }
0x13: {  	[smem:$0x3FB7] =	sst s0;
	s0 =	simm.s32 @!p1 $0x0  }
0x14: {  	s2 =	sld [smem:$0x3F9B];
	s0 =	simm.s32 @p1 $0x1  }
0x15: {  	[smem:$0x3FB8] =	sst s0;
	s0 =	simm.s32 @!p2 $0x0  }
0x16: {  	s3 =	sld [smem:$0x3FDB];
	s0 =	simm.s32 @p2 $0x1  }
0x17: {  	s4 =	simm.s32 $0x1BF5;
	[smem:$0x3FBA] =	sst s0  }
0x18: {  	s0 =	sld [smem:$0x3F9D];
	_ =	swait.ge [sflag:s4], $0x0  }
0x19: {  	s7 =	sld [smem:$0x3F9E]  }
0x1a: {  	s8 =	sadd.s32 $0xFFFFE003, lr  }
0x1b: {  	s9 =	sadd.s32 $0xFFFFFEF7, lr;
	s5 =	simm.s32 $0xFFFFFFFF;
	p2 =	slt.u32 s8, $0xFFFFF086  }
0x1c: {  	p1 =	slt.u32 s9, $0xF7A;
	s5 =	simm.s32 @!p2 $0x0  }
0x1d: {  	s5 =	simm.s32 @p1 $0x1;
	p0 =	seq.s32 s7, s2  }
0x1e: {  	s7 =	smul.u32 @!p0 $0xF7A, s2;
	p2 =	seq.s32 @!p0 s5, $0x0  }
0x1f: {  	s9 =	smul.u32 $0xF7A, s1;
	s8 =	simm.s32 @!p0 $0x1BF5;
	p2 =	por !p2, p0  }
0x20: {  	[sflag:s8] =	ssyncset.s32 @!p0 $0xFFFFF086;
	s6 =	sadd.s32 @!p0 s3, s7;
	s7 =	simm.s32 @!p0 $0x108  }
0x21: {  	s3 =	sadd.s32 s3, s9;
	s6 =	sadd.s32 @!p0 $0x88, s6;
	s7 =	simm.s32 @p2 $0x1082  }
0x22: {  	[simem:s7], [sflag:s8] =	dma.local @!p0 [hbm:s6], $0xF7A  }
0x23: {  	s9 =	sor.u32 $0xD0000000, s2;
	s6 =	simm.s32 $0x108;
	_ =	swait.ge @!p0 [sflag:s8], $0x0  }
0x24: {  	s3 =	sadd.s32 $0x88, s3;
	s6 =	simm.s32 @!p1 $0x1082;
	[sflag:s4] =	ssyncset.s32 $0xFFFFF086  }
0x25: {  	[simem:s6], [sflag:s4] =	dma.local [hbm:s3], $0xF7A  }
0x26: {  	[smem:$0x3F9E] =	sst s1;
	(tag) =	ssettag s2;
	_ =	strace s9  }
0x27: {  	s1 =	sld [smem:$0x3FAE]  }
0x28: {  	s2 =	sld [smem:$0x3FAF]  }
0x29: {  	s4 =	sld [smem:$0x3FB1]  }
0x2a: {  	p0 =	seq.s32 s5, $0x0;
	s5 =	sld [smem:$0x3FB2]  }
0x2b: {  	s6 =	sld [smem:$0x3FB3]  }
0x2c: {  	s7 =	sld [smem:$0x3FB4]  }
0x2d: {  	s3 =	simm.s32 $0x108;
	s8 =	sld [smem:$0x3FB5]  }
0x2e: {  	s3 =	simm.s32 @!p0 $0x1082;
	s9 =	sld [smem:$0x3FB6]  }
0x2f: {  	lr =	sadd.s32 s0, s3;
	s0 =	sld [smem:$0x3FAD]  }
0x30: {  	s3 =	sld [smem:$0x3FB0]  }
0x31: {  	[smem:$0x3FB9] =	sst s10  }
0x32: {  	s10 =	sld [smem:$0x3FB7];
	_ =	sdelay $0x3  }
0x33: {  	p0 =	seq.s32 s10, $0x1;
	s10 =	sld [smem:$0x3FB9];
	_ =	sdelay $0x3  }
0x34: {  	[smem:$0x3FB9] =	sst s10  }
0x35: {  	s10 =	sld [smem:$0x3FB8];
	_ =	sdelay $0x3  }
0x36: {  	p1 =	seq.s32 s10, $0x1;
	s10 =	sld [smem:$0x3FB9];
	_ =	sdelay $0x3  }
0x37: {  	[smem:$0x3FB9] =	sst s10  }
0x38: {  	s10 =	sld [smem:$0x3FBA]  }
0x39: {  	_ = 	snop;
	(pc) =	sbr.ind lr, $3  }
0x3a: {  	_ = 	snop  }
0x3b: {  	_ = 	snop  }
0x3c: {  	p2 =	seq.s32 s10, $0x1;
	s10 =	sld [smem:$0x3FB9]  }
0x3d: {  	_ =	shalt  }
0x3e: {  	_ =	shalt  }
0x3f: {  	_ =	shalt  }
0x40: {  	_ =	shalt  }
0x41: {  	_ =	shalt  }
0x42: {  	_ =	shalt  }
0x43: {  	_ =	shalt  }
0x44: {  	_ =	shalt  }
0x45: {  	_ =	shalt  }
0x46: {  	_ =	shalt  }
0x47: {  	_ =	shalt  }
0x48: {  	_ =	shalt  }
0x49: {  	_ =	shalt  }
0x4a: {  	_ =	shalt  }
0x4b: {  	_ =	shalt  }
0x4c: {  	_ =	shalt  }
0x4d: {  	_ =	shalt  }
0x4e: {  	_ =	shalt  }
0x4f: {  	_ =	shalt  }
0x50: {  	_ =	shalt  }
0x51: {  	_ =	shalt  }
0x52: {  	_ =	shalt  }
0x53: {  	_ =	shalt  }
0x54: {  	_ =	shalt  }
0x55: {  	_ =	shalt  }
0x56: {  	_ =	shalt  }
0x57: {  	_ =	shalt  }
0x58: {  	_ =	shalt  }
0x59: {  	_ =	shalt  }
0x5a: {  	_ =	shalt  }
0x5b: {  	_ =	shalt  }
0x5c: {  	_ =	shalt  }
0x5d: {  	_ =	shalt  }
0x5e: {  	_ =	shalt  }
0x5f: {  	_ =	shalt  }
0x60: {  	_ =	shalt  }
0x61: {  	_ =	shalt  }
0x62: {  	_ =	shalt  }
0x63: {  	_ =	shalt  }
0x64: {  	_ =	shalt  }
0x65: {  	_ =	shalt  }
0x66: {  	_ =	shalt  }
0x67: {  	_ =	shalt  }
0x68: {  	_ =	shalt  }
0x69: {  	_ =	shalt  }
0x6a: {  	_ =	shalt  }
0x6b: {  	_ =	shalt  }
0x6c: {  	_ =	shalt  }
0x6d: {  	_ =	shalt  }
0x6e: {  	_ =	shalt  }
0x6f: {  	_ =	shalt  }
0x70: {  	_ =	shalt  }
0x71: {  	_ =	shalt  }
0x72: {  	_ =	shalt  }
0x73: {  	_ =	shalt  }
0x74: {  	_ =	shalt  }
0x75: {  	_ =	shalt  }
0x76: {  	_ =	shalt  }
0x77: {  	_ =	shalt  }
0x78: {  	_ =	shalt  }
0x79: {  	_ =	shalt  }
0x7a: {  	_ =	shalt  }
0x7b: {  	_ =	shalt  }
0x7c: {  	_ =	shalt  }
0x7d: {  	_ =	shalt  }
0x7e: {  	_ =	shalt  }
0x7f: {  	_ =	shalt  }
0x80: {  	_ =	shalt  }
0x81: {  	_ =	shalt  }
0x82: {  	_ =	shalt  }
0x83: {  	_ =	shalt  }
0x84: {  	_ =	shalt  }
0x85: {  	_ =	shalt  }
0x86: {  	_ =	shalt  }
0x87: {  	_ =	shalt  }
.Lfunc_end0:
.L_simem_size_0:
called_computation_lowered:
.L_overlay_start_0:
0x88: {  	s2 =	sld [smem:$0x3FD9]  }
0x89: {  	s3 =	sld [smem:$0x3FFE];
	_ =	sdelay $0x1  }
0x8a: {  	s1 =	srdreg.scid  }
0x8b: {  	s0 =	sand.u32 $0x1, s1  }
0x8c: {  	s17 =	sshll.u32 s0, $0xA;
	s2 =	sadd.s32 s3, s2  }
0x8d: {  	s2 =	sadd.s32 s2, s17  }
0x8e: {  	[smem:$0x3FC5] =	sst s2  }
0x8f: {  	_ = 	snop  }
0x90: {  	s2 =	sld [smem:$0x3FC7]  }
0x91: {  	s18 =	sld [smem:$0x3FD0];
	(tm) =	ssettm $0x1  }
0x92: {  	s4 =	sld [smem:$0x3FFB];
	_ =	sdelay $0x3  }
0x93: {  	_ =	strace s4  }
0x94: {  	s4 =	sld [smem:$0x3FFC];
	_ =	sdelay $0x3  }
0x95: {  	_ =	strace s4  }
0x96: {  	s4 =	sld [smem:$0x3FFD];
	_ =	sdelay $0x3  }
0x97: {  	_ =	strace s4  }
0x98: {  	_ =	strace $0x8FFFFFFF  }
0x99: {  	s19 =	sld [smem:$0x3FDB];
	_ =	sdelay $0x1  }
0x9a: {  	s5 =	simm.s32 $_scs_section_size  }
0x9b: {  	s6 =	simm.s32 $_size__tile_overlayer_lowered;
	s7 =	simm.s32 $_tile_overlayer_lowered  }
0x9c: {  	s22 =	simm.s32 $0x1BFF;
	s21 =	sshll.u32 s7, $0x1;
	s4 =	sadd.s32 s5, s19  }
0x9d: {  	s8 =	simm.s32 $0x0;
	s20 =	sshll.u32 s6, $0x1;
	s6 =	sadd.s32 s21, s4  }
0x9e: {  	[timem:s8], [sflag:s22] =	dma.local [hbm:s6], s20  }
0x9f: {  	_ =	swait.ge [sflag:s22], s20  }
0xa0: {  	s5 =	ssub.s32 $0x0, s20;
	[sflag:s22] =	ssyncset.done $0x0  }
0xa1: {  	[sflag:s22] =	ssyncadd.s32 s5;
	_ =	sdelay $0x1  }
0xa2: {  	s23 =	simm.s32 $0x1B8B  }
0xa3: {  	_ =	swait.ge [sflag:s23], $0x1  }
0xa4: {  	[sflag:s23] =	ssyncset.done $0x0  }
0xa5: {  	s25 =	simm.s32 $0x1B8E;
	s24 =	sld [smem:$0x3FFE];
	[sflag:s23] =	ssyncadd.s32 $0xFFFFFFFF  }
0xa6: {  	s26 =	simm.s32 $execute0_lowered;
	[smem:$0x3FD2] =	sst s25  }
0xa7: {  	s6 =	sshll.u32 s26, $0x1;
	_ =	strace $0x80000046;
	[dreg:$0x1] =	wrdreg $0xFFFFFFFF  }
0xa8: {  	s28 =	simm.s32 $_size_execute0_lowered;
	s4 =	sadd.s32 s4, s6;
	[dreg:$0x0] =	wrdreg $0x0  }
0xa9: {  	s6 =	sshll.u32 s28, $0x1;
	[dreg:$0x2] =	wrdreg s4  }
0xaa: {  	[dreg:$0x3] =	wrdreg s6  }
0xab: {  	[dreg:$0x4] =	wrdreg $0xC0  }
0xac: {  	_ =	task [dreg:s8], $0x5FFFF  }
0xad: {  	[dreg:$0x1] =	wrdreg $0xFFFFFFFF  }
0xae: {  	[dreg:$0x0] =	wrdreg $0x60  }
0xaf: {  	[dreg:$0x2] =	wrdreg s24  }
0xb0: {  	[dreg:$0x3] =	wrdreg s2  }
0xb1: {  	[dreg:$0x4] =	wrdreg s18  }
0xb2: {  	[dreg:$0x5] =	wrdreg $0x9  }
0xb3: {  	_ =	task.clear_ibuf [dreg:s8], $0x6FFFF;
	_ =	strace $0x90000046  }
0xb4: {  	s29 =	simm.s32 $0x9;
	_ =	strace $0x80000048  }
0xb5: {  	_ =	swait.ge [sflag:s29], $0x1  }
0xb6: {  	[sflag:s29] =	ssyncadd.s32 $0xFFFFFFFF  }
0xb7: {  	_ =	strace $0x90000048  }
0xb8: {  	_ =	sfence  }
0xb9: {  	s30 =	sld [smem:$0x0];
	_ =	sdelay $0x2  }
0xba: {  	s31 =	sshll.u32 s1, $0xD;
	s1 =	sshrl.u32 s1, $0x2  }
0xbb: {  	s3 =	sand.u32 $0x4000, s31;
	s1 =	sadd.s32 s1, s30  }
0xbc: {  	s0 =	sor.u32 s3, s0;
	s1 =	sshll.u32 s1, $0x11  }
0xbd: {  	s0 =	sor.u32 s1, s0  }
0xbe: {  	s0 =	sadd.s32 $0x8F2B, s0  }
0xbf: {  	[sflag:s0] =	ssyncadd.remote.s32 $0x1  }
0xc0: {  	_ =	sfence.sel $0xFFFF  }
0xc1: {  	[dreg:$0x0] =	wrdreg $0xFFFFFFFF;
	(pc) =	sbr.abs _section_cstart, $3  }
0xc2: {  	[dreg:$0x1] =	wrdreg $0xFFFFFFFF  }
0xc3: {  	_ =	task.clear_ibuf [dreg:s8], $0x2FFFF;
	_ =	strace $0x9FFFFFFF  }
0xc4: {  	(tm) =	ssettm $0x7FFFFFFF  }
0xc5: {  	_ =	shalt  }
tec
execute0_lowered:
.L_overlay_start_1:
0x0: {  	(tag) =	ssettag $0x1  }
0x1: {  	v0 =	vlaneseq.u32  }
0x2: {  	v1 =	vimm.s32 $0x2380;
	vm0 =	vcmask $0x300;
	vm1 =	vcmask $0x704  }
0x3: {  	v2 =	vimm.s32 $0x6380;
	vm2 =	vcmask $0xB08;
	v1 =	vsel vm0, $0x0, v1  }
0x4: {  	vm4 =	vcmask $0xF0C;
	v2 =	vsel vm0, $0x4000, v2;
	v1 =	vsel vm1, $0x80, v1  }
0x5: {  	vm5 =	vcmask $0x1310;
	v2 =	vsel vm1, $0x4080, v2;
	v1 =	vsel vm2, $0x100, v1  }
0x6: {  	vm6 =	vcmask $0x1714;
	v2 =	vsel vm2, $0x4100, v2;
	v1 =	vsel vm4, $0x180, v1  }
0x7: {  	s3 =	rddreg [dreg:$0x0];
	vm7 =	vcmask $0x1B18;
	v2 =	vsel vm4, $0x4180, v2;
	v1 =	vsel vm5, $0x200, v1  }
0x8: {  	s5 =	rddreg [dreg:$0x1];
	vm8 =	vcmask $0x1F1C;
	v2 =	vsel vm5, $0x4200, v2;
	v1 =	vsel vm6, $0x280, v1  }
0x9: {  	s4 =	rddreg [dreg:$0x2];
	s2 =	srdreg.scid;
	vm9 =	vcmask $0x2320;
	v2 =	vsel vm6, $0x4280, v2;
	v1 =	vsel vm7, $0x300, v1  }
0xa: {  	s0 =	rddreg [dreg:$0x3];
	s1 =	stileid.u32;
	vm10 =	vcmask $0x2724;
	s10 =	simm.s32 $0x2;
	v2 =	vsel vm7, $0x4300, v2;
	v1 =	vsel vm8, $0x380, v1  }
0xb: {  	vm11 =	vcmask $0x2B28;
	s11 =	simm.s32 $0x4000;
	s12 =	simm.s32 $0x1;
	s13 =	simm.s32 $0x0;
	v2 =	vsel vm8, $0x4380, v2;
	v1 =	vsel vm9, $0x2000, v1  }
0xc: {  	vm12 =	vcmask $0x2F2C;
	s6 =	sand.u32 $0x1, s2;
	s2 =	simm.s32 $0x0;
	s7 =	sshll.u32 s1, $0x6;
	v2 =	vsel vm9, $0x6000, v2;
	v1 =	vsel vm10, $0x2080, v1  }
0xd: {  	vm13 =	vcmask $0x3330;
	s8 =	sshll.u32 s6, $0x5;
	[smem:$0x7FF] =	sst s2;
	s6 =	ssub.s32 $0x2, s6;
	v2 =	vsel vm10, $0x6080, v2;
	v1 =	vsel vm11, $0x2100, v1  }
0xe: {  	vm14 =	vcmask $0x3734;
	s7 =	sor.u32 s8, s7;
	_ =	strace $0x80000047;
	s9 =	sshrl.u32 s6, $0x1;
	v2 =	vsel vm11, $0x6100, v2;
	v1 =	vsel vm12, $0x2180, v1  }
0xf: {  	v0 =	vmul.u32 $0x80, v0;
	s8 =	sshll.u32 s7, $0x4;
	s30 =	ssub.s32 s6, s9;
	s31 =	sshll.u32 s7, $0x7;
	v2 =	vsel vm12, $0x6180, v2;
	v1 =	vsel vm13, $0x2200, v1  }
0x10: {  	vm15 =	vcmask $0x3B38;
	s7 =	sshrl.u32 s7, $0x3;
	s9 =	simm.s32 $0x9000;
	s3 =	sadd.s32 s8, s3;
	v4 =	vsel vm13, $0x6200, v2;
	v3 =	vsel vm14, $0x2280, v1  }
0x11: {  	s4 =	sadd.s32 s4, s31;
	s5 =	sadd.s32 s5, s7;
	s7 =	smax.u32 s30, $0x1;
	v1 =	vimm.f32 $0.0e+00;
	v5 =	vsel vm14, $0x6280, v4;
	v4 =	vor.u32 $0x800, v0  }
0x12: {  	s8 =	simm.s32 $0x8000;
	s3 =	sadd.s32 $0x800, s3;
	s6 =	sadd.s32 $0x800, s4;
	v2 =	vsel vm15, $0x2300, v3;
	v3 =	vimm.f32 $1.000000000e+00;
	v5 =	vsel vm15, $0x6300, v5  }
.LBB2_1:
0x13: {  	[tilespmem:s8], [sflag:$0x2] =	stream.linear.gather [hbm4b:s3+s2], $0x1000, $0x38;
	[tilespmem:$0x9080] =	vst v63  }
0x14: {  	s14 =	simm.s32 $0xFFFFC000  }
0x15: {  	s15 =	simm.s32 $0x0;
	s16 =	simm.s32 $0x0;
	s17 =	simm.s32 $0x0  }
0x16: {  	[tilespmem:s9], [sflag:$0x2] =	stream.linear.gather [hbm4b:s5+s2], $0x20, $0x38;
	[tilespmem:$0x9080] =	vst v63  }
.LBB2_2:
0x17: {  	s18 =	sadd.s32 $0x4000, s14  }
0x18: {  	s19 =	sand.u32 $0x380, s17;
	s18 =	sand.u32 $0x2000, s18  }
0x19: {  	s18 =	sor.u32 s19, s18  }
0x1a: {  	[tilespmem:s18+$0x0] =	vst v1  }
0x1b: {  	[tilespmem:s18+$0x10] =	vst v1  }
0x1c: {  	[tilespmem:s18+$0x20] =	vst v1  }
0x1d: {  	[tilespmem:s18+$0x30] =	vst v1  }
0x1e: {  	[tilespmem:s18+$0x40] =	vst v1  }
0x1f: {  	[tilespmem:s18+$0x50] =	vst v1  }
0x20: {  	[tilespmem:s18+$0x60] =	vst v1  }
0x21: {  	[tilespmem:s18+$0x70] =	vst v1  }
0x22: {  	[tilespmem:s18+$0x400] =	vst v1  }
0x23: {  	[tilespmem:s18+$0x410] =	vst v1  }
0x24: {  	[tilespmem:s18+$0x420] =	vst v1  }
0x25: {  	[tilespmem:s18+$0x430] =	vst v1  }
0x26: {  	[tilespmem:s18+$0x440] =	vst v1  }
0x27: {  	[tilespmem:s18+$0x450] =	vst v1  }
0x28: {  	[tilespmem:s18+$0x460] =	vst v1  }
0x29: {  	[tilespmem:s18+$0x470] =	vst v1  }
0x2a: {  	[tilespmem:s18+$0x800] =	vst v1  }
0x2b: {  	[tilespmem:s18+$0x810] =	vst v1  }
0x2c: {  	[tilespmem:s18+$0x820] =	vst v1  }
0x2d: {  	[tilespmem:s18+$0x830] =	vst v1  }
0x2e: {  	[tilespmem:s18+$0x840] =	vst v1  }
0x2f: {  	[tilespmem:s18+$0x850] =	vst v1  }
0x30: {  	[tilespmem:s18+$0x860] =	vst v1  }
0x31: {  	[tilespmem:s18+$0x870] =	vst v1  }
0x32: {  	[tilespmem:s18+$0xC00] =	vst v1  }
0x33: {  	[tilespmem:s18+$0xC10] =	vst v1  }
0x34: {  	[tilespmem:s18+$0xC20] =	vst v1  }
0x35: {  	[tilespmem:s18+$0xC30] =	vst v1  }
0x36: {  	[tilespmem:s18+$0xC40] =	vst v1  }
0x37: {  	[tilespmem:s18+$0xC50] =	vst v1  }
0x38: {  	[tilespmem:s18+$0xC60] =	vst v1  }
0x39: {  	[tilespmem:s18+$0xC70] =	vst v1  }
0x3a: {  	[tilespmem:s18+$0x1000] =	vst v1  }
0x3b: {  	[tilespmem:s18+$0x1010] =	vst v1  }
0x3c: {  	[tilespmem:s18+$0x1020] =	vst v1  }
0x3d: {  	[tilespmem:s18+$0x1030] =	vst v1  }
0x3e: {  	[tilespmem:s18+$0x1040] =	vst v1  }
0x3f: {  	[tilespmem:s18+$0x1050] =	vst v1  }
0x40: {  	[tilespmem:s18+$0x1060] =	vst v1  }
0x41: {  	[tilespmem:s18+$0x1070] =	vst v1  }
0x42: {  	[tilespmem:s18+$0x1400] =	vst v1  }
0x43: {  	[tilespmem:s18+$0x1410] =	vst v1  }
0x44: {  	[tilespmem:s18+$0x1420] =	vst v1  }
0x45: {  	[tilespmem:s18+$0x1430] =	vst v1  }
0x46: {  	[tilespmem:s18+$0x1440] =	vst v1  }
0x47: {  	[tilespmem:s18+$0x1450] =	vst v1  }
0x48: {  	[tilespmem:s18+$0x1460] =	vst v1  }
0x49: {  	[tilespmem:s18+$0x1470] =	vst v1  }
0x4a: {  	[tilespmem:s18+$0x1800] =	vst v1  }
0x4b: {  	[tilespmem:s18+$0x1810] =	vst v1  }
0x4c: {  	[tilespmem:s18+$0x1820] =	vst v1  }
0x4d: {  	[tilespmem:s18+$0x1830] =	vst v1  }
0x4e: {  	s22 =	sand.u32 $0x7, s15;
	[tilespmem:s18+$0x1840] =	vst v1  }
0x4f: {  	s19 =	sshll.u32 s22, $0x7;
	[tilespmem:s18+$0x1850] =	vst v1  }
0x50: {  	s19 =	sadd.s32 s19, s16;
	[tilespmem:s18+$0x1860] =	vst v1  }
0x51: {  	[tilespmem:s18+$0x1870] =	vst v1;
	s23 =	sor.u32 $0x1C00, s19  }
0x52: {  	s24 =	sor.u32 $0x1C10, s19;
	[tilespmem:s23+$0x0] =	vst v1  }
0x53: {  	s25 =	sor.u32 $0x1C20, s19;
	[tilespmem:s24+$0x0] =	vst v1  }
0x54: {  	p0 =	sne.s32 s17, $0x780;
	s26 =	sor.u32 $0x1C30, s19;
	[tilespmem:s25+$0x0] =	vst v1  }
.Ltmp0:
0x55: {  	s28 =	sor.u32 $0x1C40, s19;
	[tilespmem:s26+$0x0] =	vst v1;
	(pc) =	sbr.rel @p0 .LBB2_2-.Ltmp0, $4  }
0x56: {  	s29 =	sor.u32 $0x1C50, s19;
	[tilespmem:s28+$0x0] =	vst v1  }
0x57: {  	s30 =	sor.u32 $0x1C60, s19;
	[tilespmem:s29+$0x0] =	vst v1  }
0x58: {  	s15 =	sadd.s32 $0x1, s15;
	s31 =	sor.u32 $0x1C70, s19;
	[tilespmem:s30+$0x0] =	vst v1  }
0x59: {  	s14 =	sadd.s32 $0x400, s14;
	s17 =	sadd.s32 $0x80, s17;
	s16 =	sadd.s32 $0x400, s16;
	[tilespmem:s31+$0x0] =	vst v1  }
0x5a: {  	_ =	swait.ge [sflag:s10], $0x1000;
	s15 =	simm.s32 $0x0  }
0x5b: {  	[sflag:s10] =	ssyncset.done $0x0;
	v6 =	vor.u32 s15, v0  }
0x5c: {  	[sflag:s10] =	ssyncadd.s32 $0xFFFFF000  }
0x5d: {  	_ =	swait.ge [sflag:s10], $0x20  }
0x5e: {  	[sflag:s10] =	ssyncset.done $0x0  }
0x5f: {  	[sflag:s10] =	ssyncadd.s32 $0xFFFFFFE0  }
0x60: {  	v7 =	vld.idx.msk [tilespmem:v6+s8+$0x0], $0xffff;
	_ =	sdelay $0x1  }
0x61: {  	v6 =	vld [tilespmem:$0x9000];
	_ =	sdelay $0x2  }
0x62: {  	v8 =	vshll.u32 v7, $0x3  }
0x63: {  	v7 =	vand.u32 $0x7F, v7;
	v8 =	vand.u32 $0xFFFFFC00, v8  }
0x64: {  	vm0 =	vgt.s32 v6, s15;
	v7 =	vor.u32 v7, v8  }
0x65: {  	s14 =	simm.s32 $0x1;
	v7 =	vadd.s32 v2, v7  }
0x66: {  	s15 =	simm.s32 $0x2;
	v8 =	vor.u32 s14, v0  }
.LBB2_4:
0x67: {  	p0 =	sne.s32 s15, $0x3F;
	_ =	sdelay $0x2  }
0x68: {  	[tilespmem:v7+s2+$0x0] =	vst.idx.add.f32.msk vm0, v3  }
0x69: {  	v7 =	vld.idx.msk [tilespmem:v8+s8+$0x0], $0xffff;
	_ =	sdelay $0x5  }
.Ltmp1:
0x6a: {  	v8 =	vshll.u32 v7, $0x3;
	(pc) =	sbr.rel @p0 .LBB2_4-.Ltmp1, $4  }
0x6b: {  	v7 =	vand.u32 $0x7F, v7;
	v8 =	vand.u32 $0xFFFFFC00, v8  }
0x6c: {  	vm0 =	vgt.s32 v6, s14;
	s14 =	smov.u32 s15;
	v7 =	vor.u32 v7, v8  }
0x6d: {  	v7 =	vadd.s32 v2, v7  }
0x6e: {  	s15 =	sadd.s32 $0x1, s15;
	v8 =	vor.u32 s14, v0  }
0x6f: {  	_ =	sdelay $0x4  }
0x70: {  	[tilespmem:v7+s2+$0x0] =	vst.idx.add.f32.msk vm0, v3  }
0x71: {  	v7 =	vld.idx.msk [tilespmem:v8+s8+$0x0], $0xffff;
	_ =	sdelay $0x4  }
0x72: {  	v8 =	vshll.u32 v7, $0x3  }
0x73: {  	v7 =	vand.u32 $0x7F, v7;
	v8 =	vand.u32 $0xFFFFFC00, v8  }
0x74: {  	vm15 =	vgt.s32 v6, s14;
	v6 =	vor.u32 v7, v8  }
0x75: {  	v6 =	vadd.s32 v2, v6;
	_ =	sdelay $0x3  }
0x76: {  	s14 =	simm.s32 $0x0  }
0x77: {  	s15 =	simm.s32 $0x800;
	s16 =	simm.s32 $0x4000;
	s17 =	simm.s32 $0x0;
	[tilespmem:v6+s2+$0x0] =	vst.idx.add.f32.msk vm15, v3  }
0x78: {  	[hbm4b:s4+s14] =	stream.linear.scatter [tilespmem:s14], [sflag:$0x1], $0x4000, $0x38;
	[tilespmem:$0x9080] =	vst v63  }
.LBB2_6:
0x79: {  	s18 =	sadd.s32 $0x4000, s14  }
0x7a: {  	s19 =	sand.u32 $0x380, s15;
	s18 =	sand.u32 $0x6000, s18  }
0x7b: {  	s18 =	sor.u32 s19, s18  }
0x7c: {  	[tilespmem:s18+$0x0] =	vst v1  }
0x7d: {  	[tilespmem:s18+$0x10] =	vst v1  }
0x7e: {  	[tilespmem:s18+$0x20] =	vst v1  }
0x7f: {  	[tilespmem:s18+$0x30] =	vst v1  }
0x80: {  	[tilespmem:s18+$0x40] =	vst v1  }
0x81: {  	[tilespmem:s18+$0x50] =	vst v1  }
0x82: {  	[tilespmem:s18+$0x60] =	vst v1  }
0x83: {  	[tilespmem:s18+$0x70] =	vst v1  }
0x84: {  	[tilespmem:s18+$0x400] =	vst v1  }
0x85: {  	[tilespmem:s18+$0x410] =	vst v1  }
0x86: {  	[tilespmem:s18+$0x420] =	vst v1  }
0x87: {  	[tilespmem:s18+$0x430] =	vst v1  }
0x88: {  	[tilespmem:s18+$0x440] =	vst v1  }
0x89: {  	[tilespmem:s18+$0x450] =	vst v1  }
0x8a: {  	[tilespmem:s18+$0x460] =	vst v1  }
0x8b: {  	[tilespmem:s18+$0x470] =	vst v1  }
0x8c: {  	[tilespmem:s18+$0x800] =	vst v1  }
0x8d: {  	[tilespmem:s18+$0x810] =	vst v1  }
0x8e: {  	[tilespmem:s18+$0x820] =	vst v1  }
0x8f: {  	[tilespmem:s18+$0x830] =	vst v1  }
0x90: {  	[tilespmem:s18+$0x840] =	vst v1  }
0x91: {  	[tilespmem:s18+$0x850] =	vst v1  }
0x92: {  	[tilespmem:s18+$0x860] =	vst v1  }
0x93: {  	[tilespmem:s18+$0x870] =	vst v1  }
0x94: {  	[tilespmem:s18+$0xC00] =	vst v1  }
0x95: {  	[tilespmem:s18+$0xC10] =	vst v1  }
0x96: {  	[tilespmem:s18+$0xC20] =	vst v1  }
0x97: {  	[tilespmem:s18+$0xC30] =	vst v1  }
0x98: {  	[tilespmem:s18+$0xC40] =	vst v1  }
0x99: {  	[tilespmem:s18+$0xC50] =	vst v1  }
0x9a: {  	[tilespmem:s18+$0xC60] =	vst v1  }
0x9b: {  	[tilespmem:s18+$0xC70] =	vst v1  }
0x9c: {  	[tilespmem:s18+$0x1000] =	vst v1  }
0x9d: {  	[tilespmem:s18+$0x1010] =	vst v1  }
0x9e: {  	[tilespmem:s18+$0x1020] =	vst v1  }
0x9f: {  	[tilespmem:s18+$0x1030] =	vst v1  }
0xa0: {  	[tilespmem:s18+$0x1040] =	vst v1  }
0xa1: {  	[tilespmem:s18+$0x1050] =	vst v1  }
0xa2: {  	[tilespmem:s18+$0x1060] =	vst v1  }
0xa3: {  	[tilespmem:s18+$0x1070] =	vst v1  }
0xa4: {  	[tilespmem:s18+$0x1400] =	vst v1  }
0xa5: {  	[tilespmem:s18+$0x1410] =	vst v1  }
0xa6: {  	[tilespmem:s18+$0x1420] =	vst v1  }
0xa7: {  	[tilespmem:s18+$0x1430] =	vst v1  }
0xa8: {  	[tilespmem:s18+$0x1440] =	vst v1  }
0xa9: {  	[tilespmem:s18+$0x1450] =	vst v1  }
0xaa: {  	[tilespmem:s18+$0x1460] =	vst v1  }
0xab: {  	[tilespmem:s18+$0x1470] =	vst v1  }
0xac: {  	[tilespmem:s18+$0x1800] =	vst v1  }
0xad: {  	[tilespmem:s18+$0x1810] =	vst v1  }
0xae: {  	[tilespmem:s18+$0x1820] =	vst v1  }
0xaf: {  	[tilespmem:s18+$0x1830] =	vst v1  }
0xb0: {  	s22 =	sand.u32 $0x7, s17;
	[tilespmem:s18+$0x1840] =	vst v1  }
0xb1: {  	s19 =	sshll.u32 s22, $0x7;
	[tilespmem:s18+$0x1850] =	vst v1  }
0xb2: {  	s19 =	sadd.s32 s19, s16;
	[tilespmem:s18+$0x1860] =	vst v1  }
0xb3: {  	[tilespmem:s18+$0x1870] =	vst v1;
	s23 =	sor.u32 $0x1C00, s19  }
0xb4: {  	s24 =	sor.u32 $0x1C10, s19;
	[tilespmem:s23+$0x0] =	vst v1  }
0xb5: {  	s25 =	sor.u32 $0x1C20, s19;
	[tilespmem:s24+$0x0] =	vst v1  }
0xb6: {  	p0 =	sne.s32 s15, $0xF80;
	s26 =	sor.u32 $0x1C30, s19;
	[tilespmem:s25+$0x0] =	vst v1  }
.Ltmp2:
0xb7: {  	s28 =	sor.u32 $0x1C40, s19;
	[tilespmem:s26+$0x0] =	vst v1;
	(pc) =	sbr.rel @p0 .LBB2_6-.Ltmp2, $4  }
0xb8: {  	s29 =	sor.u32 $0x1C50, s19;
	[tilespmem:s28+$0x0] =	vst v1  }
0xb9: {  	s30 =	sor.u32 $0x1C60, s19;
	[tilespmem:s29+$0x0] =	vst v1  }
0xba: {  	s17 =	sadd.s32 $0x1, s17;
	s31 =	sor.u32 $0x1C70, s19;
	[tilespmem:s30+$0x0] =	vst v1  }
0xbb: {  	s14 =	sadd.s32 $0x400, s14;
	s15 =	sadd.s32 $0x80, s15;
	s16 =	sadd.s32 $0x400, s16;
	[tilespmem:s31+$0x0] =	vst v1  }
0xbc: {  	s15 =	simm.s32 $0x0  }
0xbd: {  	v6 =	vor.u32 s15, v4;
	_ =	sdelay $0x4  }
0xbe: {  	v7 =	vld.idx.msk [tilespmem:v6+s8+$0x0], $0xffff;
	_ =	sdelay $0x1  }
0xbf: {  	v6 =	vld [tilespmem:$0x9010];
	_ =	sdelay $0x2  }
0xc0: {  	v8 =	vshll.u32 v7, $0x3  }
0xc1: {  	v7 =	vand.u32 $0x7F, v7;
	v8 =	vand.u32 $0xFFFFFC00, v8  }
0xc2: {  	vm0 =	vgt.s32 v6, s15;
	v7 =	vor.u32 v7, v8  }
0xc3: {  	s14 =	simm.s32 $0x1;
	v7 =	vadd.s32 v5, v7  }
0xc4: {  	s15 =	simm.s32 $0x2;
	v8 =	vor.u32 s14, v4  }
.LBB2_8:
0xc5: {  	p0 =	sne.s32 s15, $0x3F;
	_ =	sdelay $0x2  }
0xc6: {  	[tilespmem:v7+s2+$0x0] =	vst.idx.add.f32.msk vm0, v3  }
0xc7: {  	v7 =	vld.idx.msk [tilespmem:v8+s8+$0x0], $0xffff;
	_ =	sdelay $0x5  }
.Ltmp3:
0xc8: {  	v8 =	vshll.u32 v7, $0x3;
	(pc) =	sbr.rel @p0 .LBB2_8-.Ltmp3, $4  }
0xc9: {  	v7 =	vand.u32 $0x7F, v7;
	v8 =	vand.u32 $0xFFFFFC00, v8  }
0xca: {  	vm0 =	vgt.s32 v6, s14;
	s14 =	smov.u32 s15;
	v7 =	vor.u32 v7, v8  }
0xcb: {  	v7 =	vadd.s32 v5, v7  }
0xcc: {  	s15 =	sadd.s32 $0x1, s15;
	v8 =	vor.u32 s14, v4  }
0xcd: {  	_ =	sdelay $0x4  }
0xce: {  	[tilespmem:v7+s2+$0x0] =	vst.idx.add.f32.msk vm0, v3  }
0xcf: {  	v7 =	vld.idx.msk [tilespmem:v8+s8+$0x0], $0xffff;
	_ =	sdelay $0x4  }
0xd0: {  	v8 =	vshll.u32 v7, $0x3  }
0xd1: {  	v7 =	vand.u32 $0x7F, v7;
	v8 =	vand.u32 $0xFFFFFC00, v8  }
0xd2: {  	vm15 =	vgt.s32 v6, s14;
	v6 =	vor.u32 v7, v8  }
0xd3: {  	v6 =	vadd.s32 v5, v6;
	_ =	sdelay $0x4  }
0xd4: {  	s13 =	sadd.s32 $0x1, s13;
	[tilespmem:v6+s2+$0x0] =	vst.idx.add.f32.msk vm15, v3  }
0xd5: {  	[hbm4b:s6+s2] =	stream.linear.scatter [tilespmem:s11], [sflag:$0x1], $0x4000, $0x38;
	[tilespmem:$0x9080] =	vst v63  }
0xd6: {  	p0 =	sne.s32 s13, s7;
	_ =	swait.ge [sflag:s12], $0x4000  }
.Ltmp4:
0xd7: {  	[sflag:s12] =	ssyncset.done $0x0;
	(pc) =	sbr.rel @p0 .LBB2_1-.Ltmp4, $4  }
0xd8: {  	[sflag:s12] =	ssyncadd.s32 $0xFFFFC000  }
0xd9: {  	_ =	swait.ge [sflag:s12], $0x4000  }
0xda: {  	[sflag:s12] =	ssyncset.done $0x0  }
0xdb: {  	[sflag:s12] =	ssyncadd.s32 $0xFFFFC000  }
0xdc: {  	_ =	sfence.sel $0x180000  }
0xdd: {  	[bflag:$0x0] =	sbarrier.arrive $0xFFFF  }
0xde: {  	p0 =	sne.s32 s1, $0x0;
	_ =	strace $0x90000047  }
0xdf: {  	s0 =	sadd.s32 @!p0 $0x100000, s0;
	[bflag:$0x2] =	sbarrier.arrive $0xFFFF  }
0xe0: {  	[sflag:s0] =	ssyncadd.tile.s32 @!p0 $0x1;
	_ =	shalt  }
.Lfunc_end2:
_tile_overlayer_lowered:
.L_overlay_start_2:
0xe1: {  	(tag) =	ssettag $0x2  }
0xe2: {  	s0 =	rddreg [dreg:$0x0];
	s2 =	stileid.u32  }
0xe3: {  	s1 =	rddreg [dreg:$0x1];
	p0 =	sne.s32 s2, $0x0  }
0xe4: {  	s3 =	rddreg [dreg:$0x2];
	[bflag:$0x3] =	sbarrier.arrive $0xFFFF;
	s2 =	simm.s32 @!p0 $0x1C03  }
0xe5: {  	[timem:s3], [sflag:s2] =	dma.local @!p0 [hbm:s0], s1  }
0xe6: {  	s0 =	simm.s32 @!p0 $0x3  }
0xe7: {  	_ =	swait.ge @!p0 [sflag:s0], s1  }
0xe8: {  	s1 =	ssub.s32 @!p0 $0x0, s1;
	[sflag:s0] =	ssyncset.done @!p0 $0x0  }
0xe9: {  	[sflag:s0] =	ssyncadd.s32 @!p0 s1  }
0xea: {  	[bflag:$0x3] =	sbarrier.arrive $0xFFFF  }
0xeb: {  	_ =	shalt  }

</sc_bundles>
